<compile_context>
chip_gen: v7x
topology: tpu7x:2x2x1
jax: 0.10.2.dev20260603
libtpu: 0.0.44.dev20260713+nightly
codegen_flags: <defaults>
</compile_context>

<pallas_src>
import functools

import jax
import jax.numpy as jnp
from jax import lax
from jax.experimental import pallas as pl
from jax.experimental.pallas import tpu as pltpu
from jax.experimental.pallas import tpu_sc as plsc

A = 8192
D = 1024
B = 16
JPAD = 64
R = JPAD * B
TOTAL = 4096
OUT_LEN = 50
START_SYM = 1
STOP_SYM = 2
JBLK = 10
NC = 2
NS = 16
NW = NC * NS
RPW = R // NW
NT = 8
TW = A // NT


def _sc_gather(cu_lemma, table):
    mesh = plsc.VectorSubcoreMesh(core_axis_name="c", subcore_axis_name="s")

    @functools.partial(
        pl.kernel,
        out_type=jax.ShapeDtypeStruct((R, D), jnp.float32),
        mesh=mesh,
        scratch_types=[
            pltpu.VMEM((32 + TOTAL,), jnp.int32),
            pltpu.VMEM((RPW,), jnp.int32),
            pltpu.VMEM((RPW, D), jnp.float32),
            pltpu.SemaphoreType.DMA,
        ],
        compiler_params=pltpu.CompilerParams(needs_layout_passes=False),
    )
    def k(cl_hbm, table_hbm, out_hbm, cl_v, idx_v, rows_v, sem):
        wid = lax.axis_index("s") * NC + lax.axis_index("c")
        pltpu.sync_copy(cl_hbm, cl_v)
        io = lax.broadcasted_iota(jnp.int32, (16,), 0)
        cu16 = plsc.load_gather(cl_v, [io])
        for chunk in range(RPW // 16):
            j = wid * (RPW // 16) + chunk
            p = jnp.minimum(cu16 + j, TOTAL - 1) + 32
            tok = plsc.load_gather(cl_v, [p])
            idx_v[pl.ds(chunk * 16, 16)] = tok
        pltpu.async_copy(table_hbm.at[idx_v], rows_v, sem).wait()
        pltpu.sync_copy(rows_v, out_hbm.at[pl.ds(wid * RPW, RPW)])

    return k(cu_lemma, table)


def _tc_body(cu_ref, e_ref, wd_hbm, bd_ref, o_ref, wd16_ref, stage_ref, hs_ref, sem):
    pid = pl.program_id(0)
    m = JBLK * B

    @pl.when(pid == 0)
    def _load_wd():
        cps = [
            pltpu.make_async_copy(
                wd_hbm.at[:, pl.ds(t * TW, TW)], stage_ref.at[t % 2], sem.at[t % 2]
            )
            for t in range(NT)
        ]
        cps[0].start()
        for t in range(NT):
            if t + 1 < NT:
                cps[t + 1].start()
            cps[t].wait()
            wd16_ref[:, pl.ds(t * TW, TW)] = stage_ref[t % 2].astype(jnp.bfloat16)
        hs_ref[...] = jnp.zeros((B, 128), jnp.float32)

    r = lax.broadcasted_iota(jnp.int32, (m, 1), 0)
    jrow = pid * JBLK + r // B
    brow = r % B
    ln = jnp.zeros((m, 1), jnp.int32)
    for kk in range(B):
        lnk = cu_ref[kk + 1] - cu_ref[kk]
        ln = jnp.where(brow == kk, lnk, ln)
    valid = (jrow >= 1) & (jrow < ln)
    e = e_ref[...].reshape(m, D) * valid.astype(jnp.float32)
    x = jnp.dot(e.astype(jnp.bfloat16), wd16_ref[...],
                preferred_element_type=jnp.float32)
    x = x + bd_ref[...]
    s = jax.nn.sigmoid(x)
    ex = jnp.exp(s)
    denom = jnp.sum(ex, axis=-1, keepdims=True)
    y = ex / denom
    xmax = jnp.max(x, axis=-1, keepdims=True)
    lane = lax.broadcasted_iota(jnp.int32, (m, A), 1)
    sym = jnp.min(jnp.where(x == xmax, lane, A), axis=-1, keepdims=True)
    hit = ((sym == STOP_SYM) & (jrow >= 1)).astype(jnp.float32)
    r_i = lax.broadcasted_iota(jnp.int32, (m, m), 0)
    r_k = lax.broadcasted_iota(jnp.int32, (m, m), 1)
    same_b = (r_i % B) == (r_k % B)
    tril = (same_b & (r_k < r_i)).astype(jnp.bfloat16)
    prefix = jnp.dot(tril, hit.astype(jnp.bfloat16),
                     preferred_element_type=jnp.float32)
    sel_i = lax.broadcasted_iota(jnp.int32, (m, B), 0)
    sel_k = lax.broadcasted_iota(jnp.int32, (m, B), 1)
    sel = ((sel_i % B) == sel_k).astype(jnp.bfloat16)
    prior = jnp.dot(sel, hs_ref[:, 0:1].astype(jnp.bfloat16),
                    preferred_element_type=jnp.float32)
    keep = (prior + prefix) == 0.0
    stoprow = (lane == STOP_SYM).astype(jnp.float32)
    body = jnp.where(keep, y, stoprow)
    st_i = lax.broadcasted_iota(jnp.int32, (B, m), 0)
    st_k = lax.broadcasted_iota(jnp.int32, (B, m), 1)
    selT = (st_i == (st_k % B)).astype(jnp.bfloat16)
    upd = jnp.dot(selT, hit.astype(jnp.bfloat16),
                  preferred_element_type=jnp.float32)
    hs_ref[:, 0:1] = hs_ref[:, 0:1] + upd
    o_ref[...] = body.reshape(JBLK, B, A)

    @pl.when(pid == 0)
    def _start_row():
        srow = (lane[0:1, :] == START_SYM).astype(jnp.float32)
        o_ref[0:1, :, :] = jnp.broadcast_to(srow[:, None, :], (1, B, A))


def _tc_decode(cu_pad, e_all, wd, bd_row):
    out = pl.pallas_call(
        _tc_body,
        grid=(OUT_LEN // JBLK,),
        in_specs=[
            pl.BlockSpec(memory_space=pltpu.SMEM),
            pl.BlockSpec((JBLK, B, D), lambda i: (i, 0, 0)),
            pl.BlockSpec(memory_space=pl.ANY),
            pl.BlockSpec((1, A), lambda i: (0, 0)),
        ],
        out_specs=pl.BlockSpec((JBLK, B, A), lambda i: (i, 0, 0)),
        out_shape=jax.ShapeDtypeStruct((OUT_LEN, B, A), jnp.float32),
        scratch_shapes=[
            pltpu.VMEM((D, A), jnp.bfloat16),
            pltpu.VMEM((2, D, TW), jnp.float32),
            pltpu.VMEM((B, 128), jnp.float32),
            pltpu.SemaphoreType.DMA((2,)),
        ],
        compiler_params=pltpu.CompilerParams(
            dimension_semantics=("arbitrary",),
            vmem_limit_bytes=128 * 1024 * 1024,
        ),
    )(cu_pad, e_all, wd, bd_row)
    return jnp.transpose(out, (1, 0, 2))


def kernel(lemma_flat, cu_seqlens, table, Wd, bd, W1, b1, W2, b2, W3, b3):
    cu_pad = jnp.pad(cu_seqlens, (0, 32 - cu_seqlens.shape[0]))
    cu_lemma = jnp.concatenate([cu_pad, lemma_flat])
    e_rows = _sc_gather(cu_lemma, table)
    e_all = e_rows.reshape(JPAD, B, D)
    bd_row = bd.reshape(1, A)
    return _tc_decode(cu_pad, e_all, Wd, bd_row)

# --- scband reference (transcript-rebuilt; emitter-appended) ---
"""Pipeline reference for scband-dumber-transducer-61641370632672 (READ-ONLY COPY).

The authoritative reference and input builder live on the scoring server;
editing this copy changes nothing except your own understanding.
"""

import jax, jax.numpy as jnp
import numpy as np

ALPHABET_SIZE = 8192
EMBED_DIM = 1024
HIDDEN = 10
BATCH = 16
MAX_SEQLEN = 512
TOTAL_TOKENS = 4096
OUT_LEN = 50
START = 1
STOP = 2


def setup_inputs(seed: int = 0) -> dict:
    key = jax.random.key(seed)
    ks = jax.random.split(key, 12)
    lemma_flat = jax.random.randint(ks[0], (TOTAL_TOKENS,), 3, ALPHABET_SIZE, dtype=jnp.int32)
    inner = jnp.sort(jax.random.randint(ks[1], (BATCH - 1,), 0, TOTAL_TOKENS, dtype=jnp.int32))
    cu_seqlens = jnp.concatenate([jnp.array([0], dtype=jnp.int32), inner, jnp.array([TOTAL_TOKENS], dtype=jnp.int32)])
    table = jax.random.normal(ks[2], (ALPHABET_SIZE, EMBED_DIM), dtype=jnp.float32) * 0.02
    Wd = jax.random.normal(ks[3], (EMBED_DIM, ALPHABET_SIZE), dtype=jnp.float32) * 0.02
    bd = jnp.zeros((ALPHABET_SIZE,), dtype=jnp.float32)
    W1 = jax.random.normal(ks[4], (EMBED_DIM * 3, HIDDEN), dtype=jnp.float32) * 0.02
    b1 = jnp.zeros((HIDDEN,), dtype=jnp.float32)
    W2 = jax.random.normal(ks[5], (HIDDEN, HIDDEN), dtype=jnp.float32) * 0.02
    b2 = jnp.zeros((HIDDEN,), dtype=jnp.float32)
    W3 = jax.random.normal(ks[6], (HIDDEN, HIDDEN), dtype=jnp.float32) * 0.02
    b3 = jnp.zeros((HIDDEN,), dtype=jnp.float32)
    return {"lemma_flat": lemma_flat, "cu_seqlens": cu_seqlens, "table": table, "Wd": Wd, "bd": bd, "W1": W1, "b1": b1, "W2": W2, "b2": b2, "W3": W3, "b3": b3}


def reference(lemma_flat, cu_seqlens, table, Wd, bd, W1, b1, W2, b2, W3, b3):
    B = cu_seqlens.shape[0] - 1
    A = table.shape[0]
    lengths = cu_seqlens[1:] - cu_seqlens[:-1]
    pos = jnp.arange(MAX_SEQLEN)
    flat_idx = cu_seqlens[:-1][:, None] + pos[None, :]
    valid = pos[None, :] < lengths[:, None]
    tok = lemma_flat[jnp.clip(flat_idx, 0, lemma_flat.shape[0] - 1)]
    # pack_sequence -> embedding -> pad_packed_sequence (zeros on padding)
    emb = table[tok] * valid[:, :, None].astype(table.dtype)  # [B, T, d]
    # EncodingWindows(1, 1): concat of prev / cur / next token embeddings
    prev = jnp.pad(emb, ((0, 0), (1, 0), (0, 0)))[:, :MAX_SEQLEN]
    nxt = jnp.pad(emb, ((0, 0), (0, 1), (0, 0)))[:, 1:]
    win = jnp.concatenate([prev, emb, nxt], axis=-1)  # [B, T, 3d]
    # encoder f_lstm: 3-layer sigmoid MLP (output unused by decoder, faithful to torch)
    h = jax.nn.sigmoid(win @ W1 + b1)
    h = jax.nn.sigmoid(h @ W2 + b2)
    lstm_out = jax.nn.sigmoid(h @ W3 + b3)
    _ = lstm_out
    # decoder: per step linear -> sigmoid -> softmax, emulate early break on STOP
    L = min(OUT_LEN, MAX_SEQLEN)
    steps = emb[:, 1:L, :]  # [B, L-1, d]
    x = jax.nn.sigmoid(steps @ Wd + bd)
    y = jax.nn.softmax(x, axis=-1)
    sym = jnp.argmax(y, axis=-1)
    hit = (sym == STOP).astype(jnp.int32)
    written_before = jnp.cumsum(hit, axis=1) - hit
    keep = written_before == 0  # step that emits STOP is still written, later ones are not
    default = jnp.zeros((A,), dtype=y.dtype).at[STOP].set(1.0)
    probs_steps = jnp.where(keep[..., None], y, default[None, None, :])
    row0 = jnp.zeros((A,), dtype=y.dtype).at[START].set(1.0)
    probs = jnp.concatenate([jnp.broadcast_to(row0, (B, 1, A)), probs_steps], axis=1)
    if L < OUT_LEN:
        pad = jnp.broadcast_to(default, (B, OUT_LEN - L, A))
        probs = jnp.concatenate([probs, pad], axis=1)
    return probs

if __name__ == "__main__":
    import jax
    _d = setup_inputs()
    print(jax.jit(kernel)(*tuple(_d.values())))

</pallas_src>

<mosaic_0001>
#map = affine_map<(d0, d1) -> (0)>
#map1 = affine_map<(d0, d1) -> (0, 0)>
module attributes {stable_mosaic.version = 14 : i64} {
  func.func @k(%arg0: i32, %arg1: i32, %arg2: memref<4128xi32, #tpu.memory_space<hbm>>, %arg3: memref<8192x1024xf32, #tpu.memory_space<hbm>>, %arg4: memref<1024x1024xf32, #tpu.memory_space<hbm>>, %arg5: memref<4128xi32, #tpu.memory_space<vmem>>, %arg6: memref<32xi32, #tpu.memory_space<vmem>>, %arg7: memref<32x1024xf32, #tpu.memory_space<vmem>>, %arg8: memref<!tpu.dma_semaphore, #tpu.memory_space<semaphore_mem>>) attributes {dimension_semantics = [#tpu.dimension_semantics<core_parallel>, #tpu.dimension_semantics<subcore_parallel>], iteration_bounds = array<i64: 2, 16>, scalar_prefetch = 0 : i64, scratch_operands = 4 : i64, tpu.core_type = #tpu.core_type<sc_vector_subcore>, window_params = [{transform_indices = #map}, {transform_indices = #map1}, {transform_indices = #map1}]} {
    %mul3A = arith.constant 2 : i32
    %mul3A_0 = arith.muli %arg1, %mul3A : i32
    %add3A = arith.addi %mul3A_0, %arg0 : i32
    "tpu.region"() ({
      %run_scoped3A = tpu.sem_alloc : memref<!tpu.dma_semaphore, #tpu.memory_space<semaphore_mem>>
      tpu.enqueue_dma source(%arg2 : memref<4128xi32, #tpu.memory_space<hbm>>) target(%arg5 : memref<4128xi32, #tpu.memory_space<vmem>>) target_semaphore(%run_scoped3A : memref<!tpu.dma_semaphore, #tpu.memory_space<semaphore_mem>>)
      tpu.wait_dma2 semaphore(%run_scoped3A : memref<!tpu.dma_semaphore, #tpu.memory_space<semaphore_mem>>) src(%arg2 : memref<4128xi32, #tpu.memory_space<hbm>>) dst(%arg5 : memref<4128xi32, #tpu.memory_space<vmem>>)
      tpu.yield
    }) : () -> ()
    %iota3A = tpu.iota {dimensions = array<i32: 0>} : vector<16xi32>
    %gather3A = tpu.vector_load_idx %arg5[%iota3A] : memref<4128xi32, #tpu.memory_space<vmem>>[vector<16xi32>], vector<16xi32>,
    %mul3A_1 = arith.constant 2 : i32
    %mul3A_2 = arith.muli %add3A, %mul3A_1 : i32
    %add3A_3 = arith.constant 0 : i32
    %add3A_4 = arith.addi %mul3A_2, %add3A_3 : i32
    %add3A_5 = vector.broadcast %add3A_4 : i32 to vector<16xi32>
    %add3A_6 = arith.addi %gather3A, %add3A_5 : vector<16xi32>
    %min3A = arith.constant 4095 : i32
    %min3A_7 = vector.broadcast %min3A : i32 to vector<16xi32>
    %min3A_8 = arith.minsi %add3A_6, %min3A_7 : vector<16xi32>
    %add3A_9 = arith.constant 32 : i32
    %add3A_10 = vector.broadcast %add3A_9 : i32 to vector<16xi32>
    %add3A_11 = arith.addi %min3A_8, %add3A_10 : vector<16xi32>
    %gather3A_12 = tpu.vector_load_idx %arg5[%add3A_11] : memref<4128xi32, #tpu.memory_space<vmem>>[vector<16xi32>], vector<16xi32>,
    %swap3A = arith.constant 0 : index
    %swap3A_13 = tpu.vector_load %arg6[%swap3A] {strides = array<i32>} : memref<32xi32, #tpu.memory_space<vmem>>, vector<16xi32>,
    tpu.vector_store %arg6[%swap3A], %gather3A_12 {strides = array<i32>} : memref<32xi32, #tpu.memory_space<vmem>>, vector<16xi32>,
    %mul3A_14 = arith.constant 2 : i32
    %mul3A_15 = arith.muli %add3A, %mul3A_14 : i32
    %add3A_16 = arith.constant 1 : i32
    %add3A_17 = arith.addi %mul3A_15, %add3A_16 : i32
    %add3A_18 = vector.broadcast %add3A_17 : i32 to vector<16xi32>
    %add3A_19 = arith.addi %gather3A, %add3A_18 : vector<16xi32>
    %min3A_20 = arith.constant 4095 : i32
    %min3A_21 = vector.broadcast %min3A_20 : i32 to vector<16xi32>
    %min3A_22 = arith.minsi %add3A_19, %min3A_21 : vector<16xi32>
    %add3A_23 = arith.constant 32 : i32
    %add3A_24 = vector.broadcast %add3A_23 : i32 to vector<16xi32>
    %add3A_25 = arith.addi %min3A_22, %add3A_24 : vector<16xi32>
    %gather3A_26 = tpu.vector_load_idx %arg5[%add3A_25] : memref<4128xi32, #tpu.memory_space<vmem>>[vector<16xi32>], vector<16xi32>,
    %swap3A_27 = arith.constant 16 : index
    %swap3A_28 = tpu.vector_load %arg6[%swap3A_27] {strides = array<i32>} : memref<32xi32, #tpu.memory_space<vmem>>, vector<16xi32>,
    tpu.vector_store %arg6[%swap3A_27], %gather3A_26 {strides = array<i32>} : memref<32xi32, #tpu.memory_space<vmem>>, vector<16xi32>,
    %dma_start3A = arith.constant 0 : i32
    %dma_start3A_29 = arith.constant 0 : i32
    %dma_start3A_30 = tpu.memref_slice %arg3[%dma_start3A, %dma_start3A_29] : memref<8192x1024xf32, #tpu.memory_space<hbm>> -> memref<8192x1024xf32, #tpu.memory_space<hbm>>
    tpu.enqueue_indirect_dma source(%dma_start3A_30 : memref<8192x1024xf32, #tpu.memory_space<hbm>>) target(%arg7 : memref<32x1024xf32, #tpu.memory_space<vmem>>) offsets(%arg6 : memref<32xi32, #tpu.memory_space<vmem>>) semaphore(%arg8 : memref<!tpu.dma_semaphore, #tpu.memory_space<semaphore_mem>>)
    %dma_wait3A = arith.constant 0 : i32
    %dma_wait3A_31 = arith.constant 0 : i32
    %dma_wait3A_32 = tpu.memref_slice %arg3[%dma_wait3A, %dma_wait3A_31] : memref<8192x1024xf32, #tpu.memory_space<hbm>> -> memref<8192x1024xf32, #tpu.memory_space<hbm>>
    tpu.wait_indirect_dma semaphore(%arg8 : memref<!tpu.dma_semaphore, #tpu.memory_space<semaphore_mem>>) src(%dma_wait3A_32 : memref<8192x1024xf32, #tpu.memory_space<hbm>>) dst(%arg7 : memref<32x1024xf32, #tpu.memory_space<vmem>>)
    %mul3A_33 = arith.constant 32 : i32
    %mul3A_34 = arith.muli %add3A, %mul3A_33 : i32
    "tpu.region"() ({
      %run_scoped3A = tpu.sem_alloc : memref<!tpu.dma_semaphore, #tpu.memory_space<semaphore_mem>>
      %dma_start3A_35 = arith.constant 0 : i32
      %dma_start3A_36 = tpu.memref_slice %arg4[%mul3A_34, %dma_start3A_35] : memref<1024x1024xf32, #tpu.memory_space<hbm>> -> memref<32x1024xf32, #tpu.memory_space<hbm>>
      %dma_start3A_37 = arith.constant 0 : i32
      %dma_start3A_38 = tpu.memref_slice %arg4[%mul3A_34, %dma_start3A_37] : memref<1024x1024xf32, #tpu.memory_space<hbm>> -> memref<32x1024xf32, #tpu.memory_space<hbm>>
      tpu.enqueue_dma source(%arg7 : memref<32x1024xf32, #tpu.memory_space<vmem>>) target(%dma_start3A_38 : memref<32x1024xf32, #tpu.memory_space<hbm>>) target_semaphore(%run_scoped3A : memref<!tpu.dma_semaphore, #tpu.memory_space<semaphore_mem>>)
      %dma_wait3A_39 = arith.constant 0 : i32
      %dma_wait3A_40 = tpu.memref_slice %arg4[%mul3A_34, %dma_wait3A_39] : memref<1024x1024xf32, #tpu.memory_space<hbm>> -> memref<32x1024xf32, #tpu.memory_space<hbm>>
      %dma_wait3A_41 = arith.constant 0 : i32
      %dma_wait3A_42 = tpu.memref_slice %arg4[%mul3A_34, %dma_wait3A_41] : memref<1024x1024xf32, #tpu.memory_space<hbm>> -> memref<32x1024xf32, #tpu.memory_space<hbm>>
      tpu.wait_dma2 semaphore(%run_scoped3A : memref<!tpu.dma_semaphore, #tpu.memory_space<semaphore_mem>>) src(%arg7 : memref<32x1024xf32, #tpu.memory_space<vmem>>) dst(%dma_wait3A_42 : memref<32x1024xf32, #tpu.memory_space<hbm>>)
      tpu.yield
    }) : () -> ()
    return
  }
}

module attributes {stable_mosaic.version = 14 : i64} {
  func.func @_tc_body(%arg0: i32, %arg1: memref<32xi32, #tpu.memory_space<smem>>, %arg2: memref<10x16x1024xf32, #tpu.memory_space<vmem>>, %arg3: memref<1024x8192xf32, #tpu.memory_space<any>>, %arg4: memref<1x8192xf32, #tpu.memory_space<vmem>>, %arg5: memref<10x16x8192xf32, #tpu.memory_space<vmem>>, %arg6: memref<1024x8192xbf16, #tpu.memory_space<vmem>>, %arg7: memref<2x1024x1024xf32, #tpu.memory_space<vmem>>, %arg8: memref<16x128xf32, #tpu.memory_space<vmem>>, %arg9: memref<2x!tpu.dma_semaphore, #tpu.memory_space<semaphore_mem>>) attributes {dimension_semantics = [#tpu.dimension_semantics<arbitrary>], iteration_bounds = array<i64: 5>, scalar_prefetch = 0 : i64, scratch_operands = 4 : i64, tpu.core_type = #tpu.core_type<tc>, window_params = [{transform_indices = @transform_0, window_bounds = array<i64: 32>}, {transform_indices = @transform_1, window_bounds = array<i64: 10, 16, 1024>}, {}, {pipeline_mode = #tpu.pipeline_mode<synchronous>, transform_indices = @transform_3, window_bounds = array<i64: 1, 8192>}, {transform_indices = @transform_4, window_bounds = array<i64: 10, 16, 8192>}]} {
    %eq3A = arith.constant 0 : i32
    %eq3A_0 = arith.cmpi eq, %arg0, %eq3A : i32
    %convert_element_type3A = arith.extui %eq3A_0 : i1 to i32
    %cond3A = arith.constant 0 : i32
    %cond3A_1 = arith.cmpi ne, %convert_element_type3A, %cond3A : i32
    scf.if %cond3A_1 {
      %dma_start3A = arith.constant 0 : i32
      %dma_start3A_406 = arith.constant 0 : i32
      %dma_start3A_407 = tpu.memref_slice %arg9[%dma_start3A_406] : memref<2x!tpu.dma_semaphore, #tpu.memory_space<semaphore_mem>> -> memref<1x!tpu.dma_semaphore, #tpu.memory_space<semaphore_mem>>
      %dma_start3A_408 = tpu.memref_squeeze %dma_start3A_407 : memref<1x!tpu.dma_semaphore, #tpu.memory_space<semaphore_mem>> -> memref<!tpu.dma_semaphore, #tpu.memory_space<semaphore_mem>>
      %dma_start3A_409 = arith.constant 0 : i32
      %dma_start3A_410 = arith.constant 0 : i32
      %dma_start3A_411 = tpu.memref_slice %arg7[%dma_start3A, %dma_start3A_409, %dma_start3A_410] : memref<2x1024x1024xf32, #tpu.memory_space<vmem>> -> memref<1x1024x1024xf32, #tpu.memory_space<vmem>>
      %dma_start3A_412 = tpu.memref_squeeze %dma_start3A_411 : memref<1x1024x1024xf32, #tpu.memory_space<vmem>> -> memref<1024x1024xf32, #tpu.memory_space<vmem>>
      %dma_start3A_413 = arith.constant 0 : i32
      %dma_start3A_414 = arith.constant 0 : i32
      %dma_start3A_415 = tpu.memref_slice %arg3[%dma_start3A_413, %dma_start3A_414] : memref<1024x8192xf32, #tpu.memory_space<any>> -> memref<1024x1024xf32, #tpu.memory_space<any>>
      tpu.enqueue_dma source(%dma_start3A_415 : memref<1024x1024xf32, #tpu.memory_space<any>>) target(%dma_start3A_412 : memref<1024x1024xf32, #tpu.memory_space<vmem>>) target_semaphore(%dma_start3A_408 : memref<!tpu.dma_semaphore, #tpu.memory_space<semaphore_mem>>)
      %dma_start3A_416 = arith.constant 1 : i32
      %dma_start3A_417 = arith.constant 1 : i32
      %dma_start3A_418 = tpu.memref_slice %arg9[%dma_start3A_417] : memref<2x!tpu.dma_semaphore, #tpu.memory_space<semaphore_mem>> -> memref<1x!tpu.dma_semaphore, #tpu.memory_space<semaphore_mem>>
      %dma_start3A_419 = tpu.memref_squeeze %dma_start3A_418 : memref<1x!tpu.dma_semaphore, #tpu.memory_space<semaphore_mem>> -> memref<!tpu.dma_semaphore, #tpu.memory_space<semaphore_mem>>
      %dma_start3A_420 = arith.constant 0 : i32
      %dma_start3A_421 = arith.constant 0 : i32
      %dma_start3A_422 = tpu.memref_slice %arg7[%dma_start3A_416, %dma_start3A_420, %dma_start3A_421] : memref<2x1024x1024xf32, #tpu.memory_space<vmem>> -> memref<1x1024x1024xf32, #tpu.memory_space<vmem>>
      %dma_start3A_423 = tpu.memref_squeeze %dma_start3A_422 : memref<1x1024x1024xf32, #tpu.memory_space<vmem>> -> memref<1024x1024xf32, #tpu.memory_space<vmem>>
      %dma_start3A_424 = arith.constant 0 : i32
      %dma_start3A_425 = arith.constant 1024 : i32
      %dma_start3A_426 = tpu.memref_slice %arg3[%dma_start3A_424, %dma_start3A_425] : memref<1024x8192xf32, #tpu.memory_space<any>> -> memref<1024x1024xf32, #tpu.memory_space<any>>
      tpu.enqueue_dma source(%dma_start3A_426 : memref<1024x1024xf32, #tpu.memory_space<any>>) target(%dma_start3A_423 : memref<1024x1024xf32, #tpu.memory_space<vmem>>) target_semaphore(%dma_start3A_419 : memref<!tpu.dma_semaphore, #tpu.memory_space<semaphore_mem>>)
      %dma_wait3A = arith.constant 0 : i32
      %dma_wait3A_427 = arith.constant 0 : i32
      %dma_wait3A_428 = tpu.memref_slice %arg9[%dma_wait3A_427] : memref<2x!tpu.dma_semaphore, #tpu.memory_space<semaphore_mem>> -> memref<1x!tpu.dma_semaphore, #tpu.memory_space<semaphore_mem>>
      %dma_wait3A_429 = tpu.memref_squeeze %dma_wait3A_428 : memref<1x!tpu.dma_semaphore, #tpu.memory_space<semaphore_mem>> -> memref<!tpu.dma_semaphore, #tpu.memory_space<semaphore_mem>>
      %dma_wait3A_430 = arith.constant 0 : i32
      %dma_wait3A_431 = arith.constant 0 : i32
      %dma_wait3A_432 = tpu.memref_slice %arg7[%dma_wait3A, %dma_wait3A_430, %dma_wait3A_431] : memref<2x1024x1024xf32, #tpu.memory_space<vmem>> -> memref<1x1024x1024xf32, #tpu.memory_space<vmem>>
      %dma_wait3A_433 = tpu.memref_squeeze %dma_wait3A_432 : memref<1x1024x1024xf32, #tpu.memory_space<vmem>> -> memref<1024x1024xf32, #tpu.memory_space<vmem>>
      %dma_wait3A_434 = arith.constant 0 : i32
      %dma_wait3A_435 = arith.constant 0 : i32
      %dma_wait3A_436 = tpu.memref_slice %arg3[%dma_wait3A_434, %dma_wait3A_435] : memref<1024x8192xf32, #tpu.memory_space<any>> -> memref<1024x1024xf32, #tpu.memory_space<any>>
      tpu.wait_dma2 semaphore(%dma_wait3A_429 : memref<!tpu.dma_semaphore, #tpu.memory_space<semaphore_mem>>) src(%dma_wait3A_436 : memref<1024x1024xf32, #tpu.memory_space<any>>) dst(%dma_wait3A_433 : memref<1024x1024xf32, #tpu.memory_space<vmem>>)
      %get3A_437 = arith.constant 0 : index
      %get3A_438 = arith.constant 0 : index
      %get3A_439 = arith.constant 0 : index
      %get3A_440 = vector.load %arg7[%get3A_437, %get3A_438, %get3A_439] : memref<2x1024x1024xf32, #tpu.memory_space<vmem>>, vector<1x1024x1024xf32>
      %get3A_441 = vector.shape_cast %get3A_440 : vector<1x1024x1024xf32> to vector<1024x1024xf32>
      %convert_element_type3A_442 = arith.truncf %get3A_441 : vector<1024x1024xf32> to vector<1024x1024xbf16>
      %swap3A_443 = arith.constant 0 : index
      %swap3A_444 = arith.constant 0 : index
      %swap3A_445 = vector.load %arg6[%swap3A_443, %swap3A_444] : memref<1024x8192xbf16, #tpu.memory_space<vmem>>, vector<1024x1024xbf16>
      tpu.vector_store %arg6[%swap3A_443, %swap3A_444], %convert_element_type3A_442 {strides = array<i32>} : memref<1024x8192xbf16, #tpu.memory_space<vmem>>, vector<1024x1024xbf16>,
      %dma_start3A_446 = arith.constant 0 : i32
      %dma_start3A_447 = arith.constant 0 : i32
      %dma_start3A_448 = tpu.memref_slice %arg9[%dma_start3A_447] : memref<2x!tpu.dma_semaphore, #tpu.memory_space<semaphore_mem>> -> memref<1x!tpu.dma_semaphore, #tpu.memory_space<semaphore_mem>>
      %dma_start3A_449 = tpu.memref_squeeze %dma_start3A_448 : memref<1x!tpu.dma_semaphore, #tpu.memory_space<semaphore_mem>> -> memref<!tpu.dma_semaphore, #tpu.memory_space<semaphore_mem>>
      %dma_start3A_450 = arith.constant 0 : i32
      %dma_start3A_451 = arith.constant 0 : i32
      %dma_start3A_452 = tpu.memref_slice %arg7[%dma_start3A_446, %dma_start3A_450, %dma_start3A_451] : memref<2x1024x1024xf32, #tpu.memory_space<vmem>> -> memref<1x1024x1024xf32, #tpu.memory_space<vmem>>
      %dma_start3A_453 = tpu.memref_squeeze %dma_start3A_452 : memref<1x1024x1024xf32, #tpu.memory_space<vmem>> -> memref<1024x1024xf32, #tpu.memory_space<vmem>>
      %dma_start3A_454 = arith.constant 0 : i32
      %dma_start3A_455 = arith.constant 2048 : i32
      %dma_start3A_456 = tpu.memref_slice %arg3[%dma_start3A_454, %dma_start3A_455] : memref<1024x8192xf32, #tpu.memory_space<any>> -> memref<1024x1024xf32, #tpu.memory_space<any>>
      tpu.enqueue_dma source(%dma_start3A_456 : memref<1024x1024xf32, #tpu.memory_space<any>>) target(%dma_start3A_453 : memref<1024x1024xf32, #tpu.memory_space<vmem>>) target_semaphore(%dma_start3A_449 : memref<!tpu.dma_semaphore, #tpu.memory_space<semaphore_mem>>)
      %dma_wait3A_457 = arith.constant 1 : i32
      %dma_wait3A_458 = arith.constant 1 : i32
      %dma_wait3A_459 = tpu.memref_slice %arg9[%dma_wait3A_458] : memref<2x!tpu.dma_semaphore, #tpu.memory_space<semaphore_mem>> -> memref<1x!tpu.dma_semaphore, #tpu.memory_space<semaphore_mem>>
      %dma_wait3A_460 = tpu.memref_squeeze %dma_wait3A_459 : memref<1x!tpu.dma_semaphore, #tpu.memory_space<semaphore_mem>> -> memref<!tpu.dma_semaphore, #tpu.memory_space<semaphore_mem>>
      %dma_wait3A_461 = arith.constant 0 : i32
      %dma_wait3A_462 = arith.constant 0 : i32
      %dma_wait3A_463 = tpu.memref_slice %arg7[%dma_wait3A_457, %dma_wait3A_461, %dma_wait3A_462] : memref<2x1024x1024xf32, #tpu.memory_space<vmem>> -> memref<1x1024x1024xf32, #tpu.memory_space<vmem>>
      %dma_wait3A_464 = tpu.memref_squeeze %dma_wait3A_463 : memref<1x1024x1024xf32, #tpu.memory_space<vmem>> -> memref<1024x1024xf32, #tpu.memory_space<vmem>>
      %dma_wait3A_465 = arith.constant 0 : i32
      %dma_wait3A_466 = arith.constant 1024 : i32
      %dma_wait3A_467 = tpu.memref_slice %arg3[%dma_wait3A_465, %dma_wait3A_466] : memref<1024x8192xf32, #tpu.memory_space<any>> -> memref<1024x1024xf32, #tpu.memory_space<any>>
      tpu.wait_dma2 semaphore(%dma_wait3A_460 : memref<!tpu.dma_semaphore, #tpu.memory_space<semaphore_mem>>) src(%dma_wait3A_467 : memref<1024x1024xf32, #tpu.memory_space<any>>) dst(%dma_wait3A_464 : memref<1024x1024xf32, #tpu.memory_space<vmem>>)
      %get3A_468 = arith.constant 1 : index
      %get3A_469 = arith.constant 0 : index
      %get3A_470 = arith.constant 0 : index
      %get3A_471 = vector.load %arg7[%get3A_468, %get3A_469, %get3A_470] : memref<2x1024x1024xf32, #tpu.memory_space<vmem>>, vector<1x1024x1024xf32>
      %get3A_472 = vector.shape_cast %get3A_471 : vector<1x1024x1024xf32> to vector<1024x1024xf32>
      %convert_element_type3A_473 = arith.truncf %get3A_472 : vector<1024x1024xf32> to vector<1024x1024xbf16>
      %swap3A_474 = arith.constant 0 : index
      %swap3A_475 = arith.constant 1024 : index
      %swap3A_476 = vector.load %arg6[%swap3A_474, %swap3A_475] : memref<1024x8192xbf16, #tpu.memory_space<vmem>>, vector<1024x1024xbf16>
      tpu.vector_store %arg6[%swap3A_474, %swap3A_475], %convert_element_type3A_473 {strides = array<i32>} : memref<1024x8192xbf16, #tpu.memory_space<vmem>>, vector<1024x1024xbf16>,
      %dma_start3A_477 = arith.constant 1 : i32
      %dma_start3A_478 = arith.constant 1 : i32
      %dma_start3A_479 = tpu.memref_slice %arg9[%dma_start3A_478] : memref<2x!tpu.dma_semaphore, #tpu.memory_space<semaphore_mem>> -> memref<1x!tpu.dma_semaphore, #tpu.memory_space<semaphore_mem>>
      %dma_start3A_480 = tpu.memref_squeeze %dma_start3A_479 : memref<1x!tpu.dma_semaphore, #tpu.memory_space<semaphore_mem>> -> memref<!tpu.dma_semaphore, #tpu.memory_space<semaphore_mem>>
      %dma_start3A_481 = arith.constant 0 : i32
      %dma_start3A_482 = arith.constant 0 : i32
      %dma_start3A_483 = tpu.memref_slice %arg7[%dma_start3A_477, %dma_start3A_481, %dma_start3A_482] : memref<2x1024x1024xf32, #tpu.memory_space<vmem>> -> memref<1x1024x1024xf32, #tpu.memory_space<vmem>>
      %dma_start3A_484 = tpu.memref_squeeze %dma_start3A_483 : memref<1x1024x1024xf32, #tpu.memory_space<vmem>> -> memref<1024x1024xf32, #tpu.memory_space<vmem>>
      %dma_start3A_485 = arith.constant 0 : i32
      %dma_start3A_486 = arith.constant 3072 : i32
      %dma_start3A_487 = tpu.memref_slice %arg3[%dma_start3A_485, %dma_start3A_486] : memref<1024x8192xf32, #tpu.memory_space<any>> -> memref<1024x1024xf32, #tpu.memory_space<any>>
      tpu.enqueue_dma source(%dma_start3A_487 : memref<1024x1024xf32, #tpu.memory_space<any>>) target(%dma_start3A_484 : memref<1024x1024xf32, #tpu.memory_space<vmem>>) target_semaphore(%dma_start3A_480 : memref<!tpu.dma_semaphore, #tpu.memory_space<semaphore_mem>>)
      %dma_wait3A_488 = arith.constant 0 : i32
      %dma_wait3A_489 = arith.constant 0 : i32
      %dma_wait3A_490 = tpu.memref_slice %arg9[%dma_wait3A_489] : memref<2x!tpu.dma_semaphore, #tpu.memory_space<semaphore_mem>> -> memref<1x!tpu.dma_semaphore, #tpu.memory_space<semaphore_mem>>
      %dma_wait3A_491 = tpu.memref_squeeze %dma_wait3A_490 : memref<1x!tpu.dma_semaphore, #tpu.memory_space<semaphore_mem>> -> memref<!tpu.dma_semaphore, #tpu.memory_space<semaphore_mem>>
      %dma_wait3A_492 = arith.constant 0 : i32
      %dma_wait3A_493 = arith.constant 0 : i32
      %dma_wait3A_494 = tpu.memref_slice %arg7[%dma_wait3A_488, %dma_wait3A_492, %dma_wait3A_493] : memref<2x1024x1024xf32, #tpu.memory_space<vmem>> -> memref<1x1024x1024xf32, #tpu.memory_space<vmem>>
      %dma_wait3A_495 = tpu.memref_squeeze %dma_wait3A_494 : memref<1x1024x1024xf32, #tpu.memory_space<vmem>> -> memref<1024x1024xf32, #tpu.memory_space<vmem>>
      %dma_wait3A_496 = arith.constant 0 : i32
      %dma_wait3A_497 = arith.constant 2048 : i32
      %dma_wait3A_498 = tpu.memref_slice %arg3[%dma_wait3A_496, %dma_wait3A_497] : memref<1024x8192xf32, #tpu.memory_space<any>> -> memref<1024x1024xf32, #tpu.memory_space<any>>
      tpu.wait_dma2 semaphore(%dma_wait3A_491 : memref<!tpu.dma_semaphore, #tpu.memory_space<semaphore_mem>>) src(%dma_wait3A_498 : memref<1024x1024xf32, #tpu.memory_space<any>>) dst(%dma_wait3A_495 : memref<1024x1024xf32, #tpu.memory_space<vmem>>)
      %get3A_499 = arith.constant 0 : index
      %get3A_500 = arith.constant 0 : index
      %get3A_501 = arith.constant 0 : index
      %get3A_502 = vector.load %arg7[%get3A_499, %get3A_500, %get3A_501] : memref<2x1024x1024xf32, #tpu.memory_space<vmem>>, vector<1x1024x1024xf32>
      %get3A_503 = vector.shape_cast %get3A_502 : vector<1x1024x1024xf32> to vector<1024x1024xf32>
      %convert_element_type3A_504 = arith.truncf %get3A_503 : vector<1024x1024xf32> to vector<1024x1024xbf16>
      %swap3A_505 = arith.constant 0 : index
      %swap3A_506 = arith.constant 2048 : index
      %swap3A_507 = vector.load %arg6[%swap3A_505, %swap3A_506] : memref<1024x8192xbf16, #tpu.memory_space<vmem>>, vector<1024x1024xbf16>
      tpu.vector_store %arg6[%swap3A_505, %swap3A_506], %convert_element_type3A_504 {strides = array<i32>} : memref<1024x8192xbf16, #tpu.memory_space<vmem>>, vector<1024x1024xbf16>,
      %dma_start3A_508 = arith.constant 0 : i32
      %dma_start3A_509 = arith.constant 0 : i32
      %dma_start3A_510 = tpu.memref_slice %arg9[%dma_start3A_509] : memref<2x!tpu.dma_semaphore, #tpu.memory_space<semaphore_mem>> -> memref<1x!tpu.dma_semaphore, #tpu.memory_space<semaphore_mem>>
      %dma_start3A_511 = tpu.memref_squeeze %dma_start3A_510 : memref<1x!tpu.dma_semaphore, #tpu.memory_space<semaphore_mem>> -> memref<!tpu.dma_semaphore, #tpu.memory_space<semaphore_mem>>
      %dma_start3A_512 = arith.constant 0 : i32
      %dma_start3A_513 = arith.constant 0 : i32
      %dma_start3A_514 = tpu.memref_slice %arg7[%dma_start3A_508, %dma_start3A_512, %dma_start3A_513] : memref<2x1024x1024xf32, #tpu.memory_space<vmem>> -> memref<1x1024x1024xf32, #tpu.memory_space<vmem>>
      %dma_start3A_515 = tpu.memref_squeeze %dma_start3A_514 : memref<1x1024x1024xf32, #tpu.memory_space<vmem>> -> memref<1024x1024xf32, #tpu.memory_space<vmem>>
      %dma_start3A_516 = arith.constant 0 : i32
      %dma_start3A_517 = arith.constant 4096 : i32
      %dma_start3A_518 = tpu.memref_slice %arg3[%dma_start3A_516, %dma_start3A_517] : memref<1024x8192xf32, #tpu.memory_space<any>> -> memref<1024x1024xf32, #tpu.memory_space<any>>
      tpu.enqueue_dma source(%dma_start3A_518 : memref<1024x1024xf32, #tpu.memory_space<any>>) target(%dma_start3A_515 : memref<1024x1024xf32, #tpu.memory_space<vmem>>) target_semaphore(%dma_start3A_511 : memref<!tpu.dma_semaphore, #tpu.memory_space<semaphore_mem>>)
      %dma_wait3A_519 = arith.constant 1 : i32
      %dma_wait3A_520 = arith.constant 1 : i32
      %dma_wait3A_521 = tpu.memref_slice %arg9[%dma_wait3A_520] : memref<2x!tpu.dma_semaphore, #tpu.memory_space<semaphore_mem>> -> memref<1x!tpu.dma_semaphore, #tpu.memory_space<semaphore_mem>>
      %dma_wait3A_522 = tpu.memref_squeeze %dma_wait3A_521 : memref<1x!tpu.dma_semaphore, #tpu.memory_space<semaphore_mem>> -> memref<!tpu.dma_semaphore, #tpu.memory_space<semaphore_mem>>
      %dma_wait3A_523 = arith.constant 0 : i32
      %dma_wait3A_524 = arith.constant 0 : i32
      %dma_wait3A_525 = tpu.memref_slice %arg7[%dma_wait3A_519, %dma_wait3A_523, %dma_wait3A_524] : memref<2x1024x1024xf32, #tpu.memory_space<vmem>> -> memref<1x1024x1024xf32, #tpu.memory_space<vmem>>
      %dma_wait3A_526 = tpu.memref_squeeze %dma_wait3A_525 : memref<1x1024x1024xf32, #tpu.memory_space<vmem>> -> memref<1024x1024xf32, #tpu.memory_space<vmem>>
      %dma_wait3A_527 = arith.constant 0 : i32
      %dma_wait3A_528 = arith.constant 3072 : i32
      %dma_wait3A_529 = tpu.memref_slice %arg3[%dma_wait3A_527, %dma_wait3A_528] : memref<1024x8192xf32, #tpu.memory_space<any>> -> memref<1024x1024xf32, #tpu.memory_space<any>>
      tpu.wait_dma2 semaphore(%dma_wait3A_522 : memref<!tpu.dma_semaphore, #tpu.memory_space<semaphore_mem>>) src(%dma_wait3A_529 : memref<1024x1024xf32, #tpu.memory_space<any>>) dst(%dma_wait3A_526 : memref<1024x1024xf32, #tpu.memory_space<vmem>>)
      %get3A_530 = arith.constant 1 : index
      %get3A_531 = arith.constant 0 : index
      %get3A_532 = arith.constant 0 : index
      %get3A_533 = vector.load %arg7[%get3A_530, %get3A_531, %get3A_532] : memref<2x1024x1024xf32, #tpu.memory_space<vmem>>, vector<1x1024x1024xf32>
      %get3A_534 = vector.shape_cast %get3A_533 : vector<1x1024x1024xf32> to vector<1024x1024xf32>
      %convert_element_type3A_535 = arith.truncf %get3A_534 : vector<1024x1024xf32> to vector<1024x1024xbf16>
      %swap3A_536 = arith.constant 0 : index
      %swap3A_537 = arith.constant 3072 : index
      %swap3A_538 = vector.load %arg6[%swap3A_536, %swap3A_537] : memref<1024x8192xbf16, #tpu.memory_space<vmem>>, vector<1024x1024xbf16>
      tpu.vector_store %arg6[%swap3A_536, %swap3A_537], %convert_element_type3A_535 {strides = array<i32>} : memref<1024x8192xbf16, #tpu.memory_space<vmem>>, vector<1024x1024xbf16>,
      %dma_start3A_539 = arith.constant 1 : i32
      %dma_start3A_540 = arith.constant 1 : i32
      %dma_start3A_541 = tpu.memref_slice %arg9[%dma_start3A_540] : memref<2x!tpu.dma_semaphore, #tpu.memory_space<semaphore_mem>> -> memref<1x!tpu.dma_semaphore, #tpu.memory_space<semaphore_mem>>
      %dma_start3A_542 = tpu.memref_squeeze %dma_start3A_541 : memref<1x!tpu.dma_semaphore, #tpu.memory_space<semaphore_mem>> -> memref<!tpu.dma_semaphore, #tpu.memory_space<semaphore_mem>>
      %dma_start3A_543 = arith.constant 0 : i32
      %dma_start3A_544 = arith.constant 0 : i32
      %dma_start3A_545 = tpu.memref_slice %arg7[%dma_start3A_539, %dma_start3A_543, %dma_start3A_544] : memref<2x1024x1024xf32, #tpu.memory_space<vmem>> -> memref<1x1024x1024xf32, #tpu.memory_space<vmem>>
      %dma_start3A_546 = tpu.memref_squeeze %dma_start3A_545 : memref<1x1024x1024xf32, #tpu.memory_space<vmem>> -> memref<1024x1024xf32, #tpu.memory_space<vmem>>
      %dma_start3A_547 = arith.constant 0 : i32
      %dma_start3A_548 = arith.constant 5120 : i32
      %dma_start3A_549 = tpu.memref_slice %arg3[%dma_start3A_547, %dma_start3A_548] : memref<1024x8192xf32, #tpu.memory_space<any>> -> memref<1024x1024xf32, #tpu.memory_space<any>>
      tpu.enqueue_dma source(%dma_start3A_549 : memref<1024x1024xf32, #tpu.memory_space<any>>) target(%dma_start3A_546 : memref<1024x1024xf32, #tpu.memory_space<vmem>>) target_semaphore(%dma_start3A_542 : memref<!tpu.dma_semaphore, #tpu.memory_space<semaphore_mem>>)
      %dma_wait3A_550 = arith.constant 0 : i32
      %dma_wait3A_551 = arith.constant 0 : i32
      %dma_wait3A_552 = tpu.memref_slice %arg9[%dma_wait3A_551] : memref<2x!tpu.dma_semaphore, #tpu.memory_space<semaphore_mem>> -> memref<1x!tpu.dma_semaphore, #tpu.memory_space<semaphore_mem>>
      %dma_wait3A_553 = tpu.memref_squeeze %dma_wait3A_552 : memref<1x!tpu.dma_semaphore, #tpu.memory_space<semaphore_mem>> -> memref<!tpu.dma_semaphore, #tpu.memory_space<semaphore_mem>>
      %dma_wait3A_554 = arith.constant 0 : i32
      %dma_wait3A_555 = arith.constant 0 : i32
      %dma_wait3A_556 = tpu.memref_slice %arg7[%dma_wait3A_550, %dma_wait3A_554, %dma_wait3A_555] : memref<2x1024x1024xf32, #tpu.memory_space<vmem>> -> memref<1x1024x1024xf32, #tpu.memory_space<vmem>>
      %dma_wait3A_557 = tpu.memref_squeeze %dma_wait3A_556 : memref<1x1024x1024xf32, #tpu.memory_space<vmem>> -> memref<1024x1024xf32, #tpu.memory_space<vmem>>
      %dma_wait3A_558 = arith.constant 0 : i32
      %dma_wait3A_559 = arith.constant 4096 : i32
      %dma_wait3A_560 = tpu.memref_slice %arg3[%dma_wait3A_558, %dma_wait3A_559] : memref<1024x8192xf32, #tpu.memory_space<any>> -> memref<1024x1024xf32, #tpu.memory_space<any>>
      tpu.wait_dma2 semaphore(%dma_wait3A_553 : memref<!tpu.dma_semaphore, #tpu.memory_space<semaphore_mem>>) src(%dma_wait3A_560 : memref<1024x1024xf32, #tpu.memory_space<any>>) dst(%dma_wait3A_557 : memref<1024x1024xf32, #tpu.memory_space<vmem>>)
      %get3A_561 = arith.constant 0 : index
      %get3A_562 = arith.constant 0 : index
      %get3A_563 = arith.constant 0 : index
      %get3A_564 = vector.load %arg7[%get3A_561, %get3A_562, %get3A_563] : memref<2x1024x1024xf32, #tpu.memory_space<vmem>>, vector<1x1024x1024xf32>
      %get3A_565 = vector.shape_cast %get3A_564 : vector<1x1024x1024xf32> to vector<1024x1024xf32>
      %convert_element_type3A_566 = arith.truncf %get3A_565 : vector<1024x1024xf32> to vector<1024x1024xbf16>
      %swap3A_567 = arith.constant 0 : index
      %swap3A_568 = arith.constant 4096 : index
      %swap3A_569 = vector.load %arg6[%swap3A_567, %swap3A_568] : memref<1024x8192xbf16, #tpu.memory_space<vmem>>, vector<1024x1024xbf16>
      tpu.vector_store %arg6[%swap3A_567, %swap3A_568], %convert_element_type3A_566 {strides = array<i32>} : memref<1024x8192xbf16, #tpu.memory_space<vmem>>, vector<1024x1024xbf16>,
      %dma_start3A_570 = arith.constant 0 : i32
      %dma_start3A_571 = arith.constant 0 : i32
      %dma_start3A_572 = tpu.memref_slice %arg9[%dma_start3A_571] : memref<2x!tpu.dma_semaphore, #tpu.memory_space<semaphore_mem>> -> memref<1x!tpu.dma_semaphore, #tpu.memory_space<semaphore_mem>>
      %dma_start3A_573 = tpu.memref_squeeze %dma_start3A_572 : memref<1x!tpu.dma_semaphore, #tpu.memory_space<semaphore_mem>> -> memref<!tpu.dma_semaphore, #tpu.memory_space<semaphore_mem>>
      %dma_start3A_574 = arith.constant 0 : i32
      %dma_start3A_575 = arith.constant 0 : i32
      %dma_start3A_576 = tpu.memref_slice %arg7[%dma_start3A_570, %dma_start3A_574, %dma_start3A_575] : memref<2x1024x1024xf32, #tpu.memory_space<vmem>> -> memref<1x1024x1024xf32, #tpu.memory_space<vmem>>
      %dma_start3A_577 = tpu.memref_squeeze %dma_start3A_576 : memref<1x1024x1024xf32, #tpu.memory_space<vmem>> -> memref<1024x1024xf32, #tpu.memory_space<vmem>>
      %dma_start3A_578 = arith.constant 0 : i32
      %dma_start3A_579 = arith.constant 6144 : i32
      %dma_start3A_580 = tpu.memref_slice %arg3[%dma_start3A_578, %dma_start3A_579] : memref<1024x8192xf32, #tpu.memory_space<any>> -> memref<1024x1024xf32, #tpu.memory_space<any>>
      tpu.enqueue_dma source(%dma_start3A_580 : memref<1024x1024xf32, #tpu.memory_space<any>>) target(%dma_start3A_577 : memref<1024x1024xf32, #tpu.memory_space<vmem>>) target_semaphore(%dma_start3A_573 : memref<!tpu.dma_semaphore, #tpu.memory_space<semaphore_mem>>)
      %dma_wait3A_581 = arith.constant 1 : i32
      %dma_wait3A_582 = arith.constant 1 : i32
      %dma_wait3A_583 = tpu.memref_slice %arg9[%dma_wait3A_582] : memref<2x!tpu.dma_semaphore, #tpu.memory_space<semaphore_mem>> -> memref<1x!tpu.dma_semaphore, #tpu.memory_space<semaphore_mem>>
      %dma_wait3A_584 = tpu.memref_squeeze %dma_wait3A_583 : memref<1x!tpu.dma_semaphore, #tpu.memory_space<semaphore_mem>> -> memref<!tpu.dma_semaphore, #tpu.memory_space<semaphore_mem>>
      %dma_wait3A_585 = arith.constant 0 : i32
      %dma_wait3A_586 = arith.constant 0 : i32
      %dma_wait3A_587 = tpu.memref_slice %arg7[%dma_wait3A_581, %dma_wait3A_585, %dma_wait3A_586] : memref<2x1024x1024xf32, #tpu.memory_space<vmem>> -> memref<1x1024x1024xf32, #tpu.memory_space<vmem>>
      %dma_wait3A_588 = tpu.memref_squeeze %dma_wait3A_587 : memref<1x1024x1024xf32, #tpu.memory_space<vmem>> -> memref<1024x1024xf32, #tpu.memory_space<vmem>>
      %dma_wait3A_589 = arith.constant 0 : i32
      %dma_wait3A_590 = arith.constant 5120 : i32
      %dma_wait3A_591 = tpu.memref_slice %arg3[%dma_wait3A_589, %dma_wait3A_590] : memref<1024x8192xf32, #tpu.memory_space<any>> -> memref<1024x1024xf32, #tpu.memory_space<any>>
      tpu.wait_dma2 semaphore(%dma_wait3A_584 : memref<!tpu.dma_semaphore, #tpu.memory_space<semaphore_mem>>) src(%dma_wait3A_591 : memref<1024x1024xf32, #tpu.memory_space<any>>) dst(%dma_wait3A_588 : memref<1024x1024xf32, #tpu.memory_space<vmem>>)
      %get3A_592 = arith.constant 1 : index
      %get3A_593 = arith.constant 0 : index
      %get3A_594 = arith.constant 0 : index
      %get3A_595 = vector.load %arg7[%get3A_592, %get3A_593, %get3A_594] : memref<2x1024x1024xf32, #tpu.memory_space<vmem>>, vector<1x1024x1024xf32>
      %get3A_596 = vector.shape_cast %get3A_595 : vector<1x1024x1024xf32> to vector<1024x1024xf32>
      %convert_element_type3A_597 = arith.truncf %get3A_596 : vector<1024x1024xf32> to vector<1024x1024xbf16>
      %swap3A_598 = arith.constant 0 : index
      %swap3A_599 = arith.constant 5120 : index
      %swap3A_600 = vector.load %arg6[%swap3A_598, %swap3A_599] : memref<1024x8192xbf16, #tpu.memory_space<vmem>>, vector<1024x1024xbf16>
      tpu.vector_store %arg6[%swap3A_598, %swap3A_599], %convert_element_type3A_597 {strides = array<i32>} : memref<1024x8192xbf16, #tpu.memory_space<vmem>>, vector<1024x1024xbf16>,
      %dma_start3A_601 = arith.constant 1 : i32
      %dma_start3A_602 = arith.constant 1 : i32
      %dma_start3A_603 = tpu.memref_slice %arg9[%dma_start3A_602] : memref<2x!tpu.dma_semaphore, #tpu.memory_space<semaphore_mem>> -> memref<1x!tpu.dma_semaphore, #tpu.memory_space<semaphore_mem>>
      %dma_start3A_604 = tpu.memref_squeeze %dma_start3A_603 : memref<1x!tpu.dma_semaphore, #tpu.memory_space<semaphore_mem>> -> memref<!tpu.dma_semaphore, #tpu.memory_space<semaphore_mem>>
      %dma_start3A_605 = arith.constant 0 : i32
      %dma_start3A_606 = arith.constant 0 : i32
      %dma_start3A_607 = tpu.memref_slice %arg7[%dma_start3A_601, %dma_start3A_605, %dma_start3A_606] : memref<2x1024x1024xf32, #tpu.memory_space<vmem>> -> memref<1x1024x1024xf32, #tpu.memory_space<vmem>>
      %dma_start3A_608 = tpu.memref_squeeze %dma_start3A_607 : memref<1x1024x1024xf32, #tpu.memory_space<vmem>> -> memref<1024x1024xf32, #tpu.memory_space<vmem>>
      %dma_start3A_609 = arith.constant 0 : i32
      %dma_start3A_610 = arith.constant 7168 : i32
      %dma_start3A_611 = tpu.memref_slice %arg3[%dma_start3A_609, %dma_start3A_610] : memref<1024x8192xf32, #tpu.memory_space<any>> -> memref<1024x1024xf32, #tpu.memory_space<any>>
      tpu.enqueue_dma source(%dma_start3A_611 : memref<1024x1024xf32, #tpu.memory_space<any>>) target(%dma_start3A_608 : memref<1024x1024xf32, #tpu.memory_space<vmem>>) target_semaphore(%dma_start3A_604 : memref<!tpu.dma_semaphore, #tpu.memory_space<semaphore_mem>>)
      %dma_wait3A_612 = arith.constant 0 : i32
      %dma_wait3A_613 = arith.constant 0 : i32
      %dma_wait3A_614 = tpu.memref_slice %arg9[%dma_wait3A_613] : memref<2x!tpu.dma_semaphore, #tpu.memory_space<semaphore_mem>> -> memref<1x!tpu.dma_semaphore, #tpu.memory_space<semaphore_mem>>
      %dma_wait3A_615 = tpu.memref_squeeze %dma_wait3A_614 : memref<1x!tpu.dma_semaphore, #tpu.memory_space<semaphore_mem>> -> memref<!tpu.dma_semaphore, #tpu.memory_space<semaphore_mem>>
      %dma_wait3A_616 = arith.constant 0 : i32
      %dma_wait3A_617 = arith.constant 0 : i32
      %dma_wait3A_618 = tpu.memref_slice %arg7[%dma_wait3A_612, %dma_wait3A_616, %dma_wait3A_617] : memref<2x1024x1024xf32, #tpu.memory_space<vmem>> -> memref<1x1024x1024xf32, #tpu.memory_space<vmem>>
      %dma_wait3A_619 = tpu.memref_squeeze %dma_wait3A_618 : memref<1x1024x1024xf32, #tpu.memory_space<vmem>> -> memref<1024x1024xf32, #tpu.memory_space<vmem>>
      %dma_wait3A_620 = arith.constant 0 : i32
      %dma_wait3A_621 = arith.constant 6144 : i32
      %dma_wait3A_622 = tpu.memref_slice %arg3[%dma_wait3A_620, %dma_wait3A_621] : memref<1024x8192xf32, #tpu.memory_space<any>> -> memref<1024x1024xf32, #tpu.memory_space<any>>
      tpu.wait_dma2 semaphore(%dma_wait3A_615 : memref<!tpu.dma_semaphore, #tpu.memory_space<semaphore_mem>>) src(%dma_wait3A_622 : memref<1024x1024xf32, #tpu.memory_space<any>>) dst(%dma_wait3A_619 : memref<1024x1024xf32, #tpu.memory_space<vmem>>)
      %get3A_623 = arith.constant 0 : index
      %get3A_624 = arith.constant 0 : index
      %get3A_625 = arith.constant 0 : index
      %get3A_626 = vector.load %arg7[%get3A_623, %get3A_624, %get3A_625] : memref<2x1024x1024xf32, #tpu.memory_space<vmem>>, vector<1x1024x1024xf32>
      %get3A_627 = vector.shape_cast %get3A_626 : vector<1x1024x1024xf32> to vector<1024x1024xf32>
      %convert_element_type3A_628 = arith.truncf %get3A_627 : vector<1024x1024xf32> to vector<1024x1024xbf16>
      %swap3A_629 = arith.constant 0 : index
      %swap3A_630 = arith.constant 6144 : index
      %swap3A_631 = vector.load %arg6[%swap3A_629, %swap3A_630] : memref<1024x8192xbf16, #tpu.memory_space<vmem>>, vector<1024x1024xbf16>
      tpu.vector_store %arg6[%swap3A_629, %swap3A_630], %convert_element_type3A_628 {strides = array<i32>} : memref<1024x8192xbf16, #tpu.memory_space<vmem>>, vector<1024x1024xbf16>,
      %dma_wait3A_632 = arith.constant 1 : i32
      %dma_wait3A_633 = arith.constant 1 : i32
      %dma_wait3A_634 = tpu.memref_slice %arg9[%dma_wait3A_633] : memref<2x!tpu.dma_semaphore, #tpu.memory_space<semaphore_mem>> -> memref<1x!tpu.dma_semaphore, #tpu.memory_space<semaphore_mem>>
      %dma_wait3A_635 = tpu.memref_squeeze %dma_wait3A_634 : memref<1x!tpu.dma_semaphore, #tpu.memory_space<semaphore_mem>> -> memref<!tpu.dma_semaphore, #tpu.memory_space<semaphore_mem>>
      %dma_wait3A_636 = arith.constant 0 : i32
      %dma_wait3A_637 = arith.constant 0 : i32
      %dma_wait3A_638 = tpu.memref_slice %arg7[%dma_wait3A_632, %dma_wait3A_636, %dma_wait3A_637] : memref<2x1024x1024xf32, #tpu.memory_space<vmem>> -> memref<1x1024x1024xf32, #tpu.memory_space<vmem>>
      %dma_wait3A_639 = tpu.memref_squeeze %dma_wait3A_638 : memref<1x1024x1024xf32, #tpu.memory_space<vmem>> -> memref<1024x1024xf32, #tpu.memory_space<vmem>>
      %dma_wait3A_640 = arith.constant 0 : i32
      %dma_wait3A_641 = arith.constant 7168 : i32
      %dma_wait3A_642 = tpu.memref_slice %arg3[%dma_wait3A_640, %dma_wait3A_641] : memref<1024x8192xf32, #tpu.memory_space<any>> -> memref<1024x1024xf32, #tpu.memory_space<any>>
      tpu.wait_dma2 semaphore(%dma_wait3A_635 : memref<!tpu.dma_semaphore, #tpu.memory_space<semaphore_mem>>) src(%dma_wait3A_642 : memref<1024x1024xf32, #tpu.memory_space<any>>) dst(%dma_wait3A_639 : memref<1024x1024xf32, #tpu.memory_space<vmem>>)
      %get3A_643 = arith.constant 1 : index
      %get3A_644 = arith.constant 0 : index
      %get3A_645 = arith.constant 0 : index
      %get3A_646 = vector.load %arg7[%get3A_643, %get3A_644, %get3A_645] : memref<2x1024x1024xf32, #tpu.memory_space<vmem>>, vector<1x1024x1024xf32>
      %get3A_647 = vector.shape_cast %get3A_646 : vector<1x1024x1024xf32> to vector<1024x1024xf32>
      %convert_element_type3A_648 = arith.truncf %get3A_647 : vector<1024x1024xf32> to vector<1024x1024xbf16>
      %swap3A_649 = arith.constant 0 : index
      %swap3A_650 = arith.constant 7168 : index
      %swap3A_651 = vector.load %arg6[%swap3A_649, %swap3A_650] : memref<1024x8192xbf16, #tpu.memory_space<vmem>>, vector<1024x1024xbf16>
      tpu.vector_store %arg6[%swap3A_649, %swap3A_650], %convert_element_type3A_648 {strides = array<i32>} : memref<1024x8192xbf16, #tpu.memory_space<vmem>>, vector<1024x1024xbf16>,
      %broadcast_in_dim3A_652 = arith.constant 0.000000e+00 : f32
      %broadcast_in_dim3A_653 = vector.broadcast %broadcast_in_dim3A_652 : f32 to vector<16x128xf32>
      %swap3A_654 = arith.constant 0 : index
      %swap3A_655 = arith.constant 0 : index
      %swap3A_656 = vector.load %arg8[%swap3A_654, %swap3A_655] : memref<16x128xf32, #tpu.memory_space<vmem>>, vector<16x128xf32>
      tpu.vector_store %arg8[%swap3A_654, %swap3A_655], %broadcast_in_dim3A_653 {strides = array<i32>} : memref<16x128xf32, #tpu.memory_space<vmem>>, vector<16x128xf32>,
    } else {
    }
    %iota3A = tpu.iota {dimensions = array<i32: 0>} : vector<160x1xi32>
    %mul3A = arith.constant 10 : i32
    %mul3A_2 = arith.muli %arg0, %mul3A : i32
    %jit3A = arith.constant 16 : i32
    %div3A = vector.broadcast %jit3A : i32 to vector<160x1xi32>
    %div3A_3 = arith.divsi %iota3A, %div3A : vector<160x1xi32>
    %sign3A = arith.constant 0 : i32
    %sign3A_4 = vector.broadcast %sign3A : i32 to vector<160x1xi32>
    %sign3A_5 = arith.cmpi sgt, %iota3A, %sign3A_4 : vector<160x1xi32>
    %sign3A_6 = arith.extui %sign3A_5 : vector<160x1xi1> to vector<160x1xi32>
    %sign3A_7 = arith.constant 0 : i32
    %sign3A_8 = vector.broadcast %sign3A_7 : i32 to vector<160x1xi32>
    %sign3A_9 = arith.cmpi slt, %iota3A, %sign3A_8 : vector<160x1xi32>
    %sign3A_10 = arith.extui %sign3A_9 : vector<160x1xi1> to vector<160x1xi32>
    %sign3A_11 = arith.subi %sign3A_6, %sign3A_10 : vector<160x1xi32>
    %sign3A_12 = arith.constant 0 : i32
    %sign3A_13 = arith.cmpi sgt, %jit3A, %sign3A_12 : i32
    %sign3A_14 = arith.extui %sign3A_13 : i1 to i32
    %sign3A_15 = arith.constant 0 : i32
    %sign3A_16 = arith.cmpi slt, %jit3A, %sign3A_15 : i32
    %sign3A_17 = arith.extui %sign3A_16 : i1 to i32
    %sign3A_18 = arith.subi %sign3A_14, %sign3A_17 : i32
    %ne3A = vector.broadcast %sign3A_18 : i32 to vector<160x1xi32>
    %ne3A_19 = arith.cmpi ne, %sign3A_11, %ne3A : vector<160x1xi32>
    %rem3A = vector.broadcast %jit3A : i32 to vector<160x1xi32>
    %rem3A_20 = arith.remsi %iota3A, %rem3A : vector<160x1xi32>
    %ne3A_21 = arith.constant 0 : i32
    %ne3A_22 = vector.broadcast %ne3A_21 : i32 to vector<160x1xi32>
    %ne3A_23 = arith.cmpi ne, %rem3A_20, %ne3A_22 : vector<160x1xi32>
    %and3A = arith.andi %ne3A_19, %ne3A_23 : vector<160x1xi1>
    %sub3A = arith.constant 1 : i32
    %sub3A_24 = vector.broadcast %sub3A : i32 to vector<160x1xi32>
    %sub3A_25 = arith.subi %div3A_3, %sub3A_24 : vector<160x1xi32>
    %select_n3A = arith.select %and3A, %sub3A_25, %div3A_3 : vector<160x1xi1>, vector<160x1xi32>
    %add3A = vector.broadcast %mul3A_2 : i32 to vector<160x1xi32>
    %add3A_26 = arith.addi %add3A, %select_n3A : vector<160x1xi32>
    %jit3A_27 = arith.constant 16 : i32
    %eq3A_28 = arith.constant 0 : i32
    %eq3A_29 = arith.cmpi eq, %jit3A_27, %eq3A_28 : i32
    %jit3A_30 = arith.constant 1 : i32
    %select_n3A_31 = arith.select %eq3A_29, %jit3A_30, %jit3A_27 : i32
    %rem3A_32 = vector.broadcast %select_n3A_31 : i32 to vector<160x1xi32>
    %rem3A_33 = arith.remsi %iota3A, %rem3A_32 : vector<160x1xi32>
    %ne3A_34 = arith.constant 0 : i32
    %ne3A_35 = vector.broadcast %ne3A_34 : i32 to vector<160x1xi32>
    %ne3A_36 = arith.cmpi ne, %rem3A_33, %ne3A_35 : vector<160x1xi32>
    %lt3A = arith.constant 0 : i32
    %lt3A_37 = vector.broadcast %lt3A : i32 to vector<160x1xi32>
    %lt3A_38 = arith.cmpi slt, %rem3A_33, %lt3A_37 : vector<160x1xi32>
    %lt3A_39 = arith.constant 0 : i32
    %lt3A_40 = arith.cmpi slt, %select_n3A_31, %lt3A_39 : i32
    %ne3A_41 = vector.broadcast %lt3A_40 : i1 to vector<160x1xi1>
    %ne3A_42 = vector.broadcast %ne3A_41 : vector<160x1xi1> to vector<160x1xi1>
    %ne3A_43 = arith.xori %lt3A_38, %ne3A_42 : vector<160x1xi1>
    %and3A_44 = arith.andi %ne3A_43, %ne3A_36 : vector<160x1xi1>
    %add3A_45 = vector.broadcast %select_n3A_31 : i32 to vector<160x1xi32>
    %add3A_46 = arith.addi %rem3A_33, %add3A_45 : vector<160x1xi32>
    %select_n3A_47 = arith.select %and3A_44, %add3A_46, %rem3A_33 : vector<160x1xi1>, vector<160x1xi32>
    %broadcast_in_dim3A = arith.constant 0 : i32
    %broadcast_in_dim3A_48 = vector.broadcast %broadcast_in_dim3A : i32 to vector<160x1xi32>
    %get3A = arith.constant 1 : index
    %get3A_49 = memref.load %arg1[%get3A] : memref<32xi32, #tpu.memory_space<smem>>
    %get3A_50 = arith.constant 0 : index
    %get3A_51 = memref.load %arg1[%get3A_50] : memref<32xi32, #tpu.memory_space<smem>>
    %sub3A_52 = arith.subi %get3A_49, %get3A_51 : i32
    %eq3A_53 = arith.constant 0 : i32
    %eq3A_54 = vector.broadcast %eq3A_53 : i32 to vector<160x1xi32>
    %eq3A_55 = arith.cmpi eq, %select_n3A_47, %eq3A_54 : vector<160x1xi32>
    %broadcast_in_dim3A_56 = vector.broadcast %sub3A_52 : i32 to vector<160x1xi32>
    %select_n3A_57 = arith.select %eq3A_55, %broadcast_in_dim3A_56, %broadcast_in_dim3A_48 : vector<160x1xi1>, vector<160x1xi32>
    %get3A_58 = arith.constant 2 : index
    %get3A_59 = memref.load %arg1[%get3A_58] : memref<32xi32, #tpu.memory_space<smem>>
    %get3A_60 = arith.constant 1 : index
    %get3A_61 = memref.load %arg1[%get3A_60] : memref<32xi32, #tpu.memory_space<smem>>
    %sub3A_62 = arith.subi %get3A_59, %get3A_61 : i32
    %eq3A_63 = arith.constant 1 : i32
    %eq3A_64 = vector.broadcast %eq3A_63 : i32 to vector<160x1xi32>
    %eq3A_65 = arith.cmpi eq, %select_n3A_47, %eq3A_64 : vector<160x1xi32>
    %broadcast_in_dim3A_66 = vector.broadcast %sub3A_62 : i32 to vector<160x1xi32>
    %select_n3A_67 = arith.select %eq3A_65, %broadcast_in_dim3A_66, %select_n3A_57 : vector<160x1xi1>, vector<160x1xi32>
    %get3A_68 = arith.constant 3 : index
    %get3A_69 = memref.load %arg1[%get3A_68] : memref<32xi32, #tpu.memory_space<smem>>
    %get3A_70 = arith.constant 2 : index
    %get3A_71 = memref.load %arg1[%get3A_70] : memref<32xi32, #tpu.memory_space<smem>>
    %sub3A_72 = arith.subi %get3A_69, %get3A_71 : i32
    %eq3A_73 = arith.constant 2 : i32
    %eq3A_74 = vector.broadcast %eq3A_73 : i32 to vector<160x1xi32>
    %eq3A_75 = arith.cmpi eq, %select_n3A_47, %eq3A_74 : vector<160x1xi32>
    %broadcast_in_dim3A_76 = vector.broadcast %sub3A_72 : i32 to vector<160x1xi32>
    %select_n3A_77 = arith.select %eq3A_75, %broadcast_in_dim3A_76, %select_n3A_67 : vector<160x1xi1>, vector<160x1xi32>
    %get3A_78 = arith.constant 4 : index
    %get3A_79 = memref.load %arg1[%get3A_78] : memref<32xi32, #tpu.memory_space<smem>>
    %get3A_80 = arith.constant 3 : index
    %get3A_81 = memref.load %arg1[%get3A_80] : memref<32xi32, #tpu.memory_space<smem>>
    %sub3A_82 = arith.subi %get3A_79, %get3A_81 : i32
    %eq3A_83 = arith.constant 3 : i32
    %eq3A_84 = vector.broadcast %eq3A_83 : i32 to vector<160x1xi32>
    %eq3A_85 = arith.cmpi eq, %select_n3A_47, %eq3A_84 : vector<160x1xi32>
    %broadcast_in_dim3A_86 = vector.broadcast %sub3A_82 : i32 to vector<160x1xi32>
    %select_n3A_87 = arith.select %eq3A_85, %broadcast_in_dim3A_86, %select_n3A_77 : vector<160x1xi1>, vector<160x1xi32>
    %get3A_88 = arith.constant 5 : index
    %get3A_89 = memref.load %arg1[%get3A_88] : memref<32xi32, #tpu.memory_space<smem>>
    %get3A_90 = arith.constant 4 : index
    %get3A_91 = memref.load %arg1[%get3A_90] : memref<32xi32, #tpu.memory_space<smem>>
    %sub3A_92 = arith.subi %get3A_89, %get3A_91 : i32
    %eq3A_93 = arith.constant 4 : i32
    %eq3A_94 = vector.broadcast %eq3A_93 : i32 to vector<160x1xi32>
    %eq3A_95 = arith.cmpi eq, %select_n3A_47, %eq3A_94 : vector<160x1xi32>
    %broadcast_in_dim3A_96 = vector.broadcast %sub3A_92 : i32 to vector<160x1xi32>
    %select_n3A_97 = arith.select %eq3A_95, %broadcast_in_dim3A_96, %select_n3A_87 : vector<160x1xi1>, vector<160x1xi32>
    %get3A_98 = arith.constant 6 : index
    %get3A_99 = memref.load %arg1[%get3A_98] : memref<32xi32, #tpu.memory_space<smem>>
    %get3A_100 = arith.constant 5 : index
    %get3A_101 = memref.load %arg1[%get3A_100] : memref<32xi32, #tpu.memory_space<smem>>
    %sub3A_102 = arith.subi %get3A_99, %get3A_101 : i32
    %eq3A_103 = arith.constant 5 : i32
    %eq3A_104 = vector.broadcast %eq3A_103 : i32 to vector<160x1xi32>
    %eq3A_105 = arith.cmpi eq, %select_n3A_47, %eq3A_104 : vector<160x1xi32>
    %broadcast_in_dim3A_106 = vector.broadcast %sub3A_102 : i32 to vector<160x1xi32>
    %select_n3A_107 = arith.select %eq3A_105, %broadcast_in_dim3A_106, %select_n3A_97 : vector<160x1xi1>, vector<160x1xi32>
    %get3A_108 = arith.constant 7 : index
    %get3A_109 = memref.load %arg1[%get3A_108] : memref<32xi32, #tpu.memory_space<smem>>
    %get3A_110 = arith.constant 6 : index
    %get3A_111 = memref.load %arg1[%get3A_110] : memref<32xi32, #tpu.memory_space<smem>>
    %sub3A_112 = arith.subi %get3A_109, %get3A_111 : i32
    %eq3A_113 = arith.constant 6 : i32
    %eq3A_114 = vector.broadcast %eq3A_113 : i32 to vector<160x1xi32>
    %eq3A_115 = arith.cmpi eq, %select_n3A_47, %eq3A_114 : vector<160x1xi32>
    %broadcast_in_dim3A_116 = vector.broadcast %sub3A_112 : i32 to vector<160x1xi32>
    %select_n3A_117 = arith.select %eq3A_115, %broadcast_in_dim3A_116, %select_n3A_107 : vector<160x1xi1>, vector<160x1xi32>
    %get3A_118 = arith.constant 8 : index
    %get3A_119 = memref.load %arg1[%get3A_118] : memref<32xi32, #tpu.memory_space<smem>>
    %get3A_120 = arith.constant 7 : index
    %get3A_121 = memref.load %arg1[%get3A_120] : memref<32xi32, #tpu.memory_space<smem>>
    %sub3A_122 = arith.subi %get3A_119, %get3A_121 : i32
    %eq3A_123 = arith.constant 7 : i32
    %eq3A_124 = vector.broadcast %eq3A_123 : i32 to vector<160x1xi32>
    %eq3A_125 = arith.cmpi eq, %select_n3A_47, %eq3A_124 : vector<160x1xi32>
    %broadcast_in_dim3A_126 = vector.broadcast %sub3A_122 : i32 to vector<160x1xi32>
    %select_n3A_127 = arith.select %eq3A_125, %broadcast_in_dim3A_126, %select_n3A_117 : vector<160x1xi1>, vector<160x1xi32>
    %get3A_128 = arith.constant 9 : index
    %get3A_129 = memref.load %arg1[%get3A_128] : memref<32xi32, #tpu.memory_space<smem>>
    %get3A_130 = arith.constant 8 : index
    %get3A_131 = memref.load %arg1[%get3A_130] : memref<32xi32, #tpu.memory_space<smem>>
    %sub3A_132 = arith.subi %get3A_129, %get3A_131 : i32
    %eq3A_133 = arith.constant 8 : i32
    %eq3A_134 = vector.broadcast %eq3A_133 : i32 to vector<160x1xi32>
    %eq3A_135 = arith.cmpi eq, %select_n3A_47, %eq3A_134 : vector<160x1xi32>
    %broadcast_in_dim3A_136 = vector.broadcast %sub3A_132 : i32 to vector<160x1xi32>
    %select_n3A_137 = arith.select %eq3A_135, %broadcast_in_dim3A_136, %select_n3A_127 : vector<160x1xi1>, vector<160x1xi32>
    %get3A_138 = arith.constant 10 : index
    %get3A_139 = memref.load %arg1[%get3A_138] : memref<32xi32, #tpu.memory_space<smem>>
    %get3A_140 = arith.constant 9 : index
    %get3A_141 = memref.load %arg1[%get3A_140] : memref<32xi32, #tpu.memory_space<smem>>
    %sub3A_142 = arith.subi %get3A_139, %get3A_141 : i32
    %eq3A_143 = arith.constant 9 : i32
    %eq3A_144 = vector.broadcast %eq3A_143 : i32 to vector<160x1xi32>
    %eq3A_145 = arith.cmpi eq, %select_n3A_47, %eq3A_144 : vector<160x1xi32>
    %broadcast_in_dim3A_146 = vector.broadcast %sub3A_142 : i32 to vector<160x1xi32>
    %select_n3A_147 = arith.select %eq3A_145, %broadcast_in_dim3A_146, %select_n3A_137 : vector<160x1xi1>, vector<160x1xi32>
    %get3A_148 = arith.constant 11 : index
    %get3A_149 = memref.load %arg1[%get3A_148] : memref<32xi32, #tpu.memory_space<smem>>
    %get3A_150 = arith.constant 10 : index
    %get3A_151 = memref.load %arg1[%get3A_150] : memref<32xi32, #tpu.memory_space<smem>>
    %sub3A_152 = arith.subi %get3A_149, %get3A_151 : i32
    %eq3A_153 = arith.constant 10 : i32
    %eq3A_154 = vector.broadcast %eq3A_153 : i32 to vector<160x1xi32>
    %eq3A_155 = arith.cmpi eq, %select_n3A_47, %eq3A_154 : vector<160x1xi32>
    %broadcast_in_dim3A_156 = vector.broadcast %sub3A_152 : i32 to vector<160x1xi32>
    %select_n3A_157 = arith.select %eq3A_155, %broadcast_in_dim3A_156, %select_n3A_147 : vector<160x1xi1>, vector<160x1xi32>
    %get3A_158 = arith.constant 12 : index
    %get3A_159 = memref.load %arg1[%get3A_158] : memref<32xi32, #tpu.memory_space<smem>>
    %get3A_160 = arith.constant 11 : index
    %get3A_161 = memref.load %arg1[%get3A_160] : memref<32xi32, #tpu.memory_space<smem>>
    %sub3A_162 = arith.subi %get3A_159, %get3A_161 : i32
    %eq3A_163 = arith.constant 11 : i32
    %eq3A_164 = vector.broadcast %eq3A_163 : i32 to vector<160x1xi32>
    %eq3A_165 = arith.cmpi eq, %select_n3A_47, %eq3A_164 : vector<160x1xi32>
    %broadcast_in_dim3A_166 = vector.broadcast %sub3A_162 : i32 to vector<160x1xi32>
    %select_n3A_167 = arith.select %eq3A_165, %broadcast_in_dim3A_166, %select_n3A_157 : vector<160x1xi1>, vector<160x1xi32>
    %get3A_168 = arith.constant 13 : index
    %get3A_169 = memref.load %arg1[%get3A_168] : memref<32xi32, #tpu.memory_space<smem>>
    %get3A_170 = arith.constant 12 : index
    %get3A_171 = memref.load %arg1[%get3A_170] : memref<32xi32, #tpu.memory_space<smem>>
    %sub3A_172 = arith.subi %get3A_169, %get3A_171 : i32
    %eq3A_173 = arith.constant 12 : i32
    %eq3A_174 = vector.broadcast %eq3A_173 : i32 to vector<160x1xi32>
    %eq3A_175 = arith.cmpi eq, %select_n3A_47, %eq3A_174 : vector<160x1xi32>
    %broadcast_in_dim3A_176 = vector.broadcast %sub3A_172 : i32 to vector<160x1xi32>
    %select_n3A_177 = arith.select %eq3A_175, %broadcast_in_dim3A_176, %select_n3A_167 : vector<160x1xi1>, vector<160x1xi32>
    %get3A_178 = arith.constant 14 : index
    %get3A_179 = memref.load %arg1[%get3A_178] : memref<32xi32, #tpu.memory_space<smem>>
    %get3A_180 = arith.constant 13 : index
    %get3A_181 = memref.load %arg1[%get3A_180] : memref<32xi32, #tpu.memory_space<smem>>
    %sub3A_182 = arith.subi %get3A_179, %get3A_181 : i32
    %eq3A_183 = arith.constant 13 : i32
    %eq3A_184 = vector.broadcast %eq3A_183 : i32 to vector<160x1xi32>
    %eq3A_185 = arith.cmpi eq, %select_n3A_47, %eq3A_184 : vector<160x1xi32>
    %broadcast_in_dim3A_186 = vector.broadcast %sub3A_182 : i32 to vector<160x1xi32>
    %select_n3A_187 = arith.select %eq3A_185, %broadcast_in_dim3A_186, %select_n3A_177 : vector<160x1xi1>, vector<160x1xi32>
    %get3A_188 = arith.constant 15 : index
    %get3A_189 = memref.load %arg1[%get3A_188] : memref<32xi32, #tpu.memory_space<smem>>
    %get3A_190 = arith.constant 14 : index
    %get3A_191 = memref.load %arg1[%get3A_190] : memref<32xi32, #tpu.memory_space<smem>>
    %sub3A_192 = arith.subi %get3A_189, %get3A_191 : i32
    %eq3A_193 = arith.constant 14 : i32
    %eq3A_194 = vector.broadcast %eq3A_193 : i32 to vector<160x1xi32>
    %eq3A_195 = arith.cmpi eq, %select_n3A_47, %eq3A_194 : vector<160x1xi32>
    %broadcast_in_dim3A_196 = vector.broadcast %sub3A_192 : i32 to vector<160x1xi32>
    %select_n3A_197 = arith.select %eq3A_195, %broadcast_in_dim3A_196, %select_n3A_187 : vector<160x1xi1>, vector<160x1xi32>
    %get3A_198 = arith.constant 16 : index
    %get3A_199 = memref.load %arg1[%get3A_198] : memref<32xi32, #tpu.memory_space<smem>>
    %get3A_200 = arith.constant 15 : index
    %get3A_201 = memref.load %arg1[%get3A_200] : memref<32xi32, #tpu.memory_space<smem>>
    %sub3A_202 = arith.subi %get3A_199, %get3A_201 : i32
    %eq3A_203 = arith.constant 15 : i32
    %eq3A_204 = vector.broadcast %eq3A_203 : i32 to vector<160x1xi32>
    %eq3A_205 = arith.cmpi eq, %select_n3A_47, %eq3A_204 : vector<160x1xi32>
    %broadcast_in_dim3A_206 = vector.broadcast %sub3A_202 : i32 to vector<160x1xi32>
    %select_n3A_207 = arith.select %eq3A_205, %broadcast_in_dim3A_206, %select_n3A_197 : vector<160x1xi1>, vector<160x1xi32>
    %ge3A = arith.constant 1 : i32
    %ge3A_208 = vector.broadcast %ge3A : i32 to vector<160x1xi32>
    %ge3A_209 = arith.cmpi sge, %add3A_26, %ge3A_208 : vector<160x1xi32>
    %lt3A_210 = arith.cmpi slt, %add3A_26, %select_n3A_207 : vector<160x1xi32>
    %and3A_211 = arith.andi %ge3A_209, %lt3A_210 : vector<160x1xi1>
    %get3A_212 = arith.constant 0 : index
    %get3A_213 = arith.constant 0 : index
    %get3A_214 = arith.constant 0 : index
    %get3A_215 = vector.load %arg2[%get3A_212, %get3A_213, %get3A_214] : memref<10x16x1024xf32, #tpu.memory_space<vmem>>, vector<10x16x1024xf32>
    %reshape3A = vector.shape_cast %get3A_215 : vector<10x16x1024xf32> to vector<160x1024xf32>
    %convert_element_type3A_216 = arith.extui %and3A_211 : vector<160x1xi1> to vector<160x1xi32>
    %convert_element_type3A_217 = arith.sitofp %convert_element_type3A_216 : vector<160x1xi32> to vector<160x1xf32>
    %mul3A_218 = vector.broadcast %convert_element_type3A_217 : vector<160x1xf32> to vector<160x1024xf32>
    %mul3A_219 = arith.mulf %reshape3A, %mul3A_218 : vector<160x1024xf32>
    %convert_element_type3A_220 = arith.truncf %mul3A_219 : vector<160x1024xf32> to vector<160x1024xbf16>
    %get3A_221 = arith.constant 0 : index
    %get3A_222 = arith.constant 0 : index
    %get3A_223 = vector.load %arg6[%get3A_221, %get3A_222] : memref<1024x8192xbf16, #tpu.memory_space<vmem>>, vector<1024x8192xbf16>
    %dot_general3A = arith.constant dense<0.000000e+00> : vector<160x8192xf32>
    %dot_general3A_224 = tpu.matmul %convert_element_type3A_220, %get3A_223, %dot_general3A {dimension_numbers = #tpu.dot_dimension_numbers<[1], [0], [0], [1], [0, 0, 1, 1], [], []>, transpose_lhs_hint = false} : vector<160x1024xbf16>, vector<1024x8192xbf16>, vector<160x8192xf32> -> vector<160x8192xf32>
    %get3A_225 = arith.constant 0 : index
    %get3A_226 = arith.constant 0 : index
    %get3A_227 = vector.load %arg4[%get3A_225, %get3A_226] : memref<1x8192xf32, #tpu.memory_space<vmem>>, vector<1x8192xf32>
    %add3A_228 = vector.broadcast %get3A_227 : vector<1x8192xf32> to vector<160x8192xf32>
    %add3A_229 = arith.addf %dot_general3A_224, %add3A_228 : vector<160x8192xf32>
    %logistic3A = arith.negf %add3A_229 : vector<160x8192xf32>
    %logistic3A_230 = math.exp %logistic3A : vector<160x8192xf32>
    %logistic3A_231 = arith.constant 1.000000e+00 : f32
    %logistic3A_232 = vector.broadcast %logistic3A_231 : f32 to vector<160x8192xf32>
    %logistic3A_233 = arith.addf %logistic3A_232, %logistic3A_230 : vector<160x8192xf32>
    %logistic3A_234 = arith.divf %logistic3A_232, %logistic3A_233 : vector<160x8192xf32>
    %exp3A = math.exp %logistic3A_234 : vector<160x8192xf32>
    %reduce_sum3A = arith.constant dense<0.000000e+00> : vector<160xf32>
    %reduce_sum3A_235 = vector.multi_reduction <add>, %exp3A, %reduce_sum3A [1] : vector<160x8192xf32> to vector<160xf32>
    %broadcast_in_dim3A_236 = vector.shape_cast %reduce_sum3A_235 : vector<160xf32> to vector<160x1xf32>
    %div3A_237 = vector.broadcast %broadcast_in_dim3A_236 : vector<160x1xf32> to vector<160x8192xf32>
    %div3A_238 = arith.divf %exp3A, %div3A_237 : vector<160x8192xf32>
    %reduce_max3A = arith.constant dense<0xFF800000> : vector<160xf32>
    %reduce_max3A_239 = vector.multi_reduction <maximumf>, %add3A_229, %reduce_max3A [1] : vector<160x8192xf32> to vector<160xf32>
    %broadcast_in_dim3A_240 = vector.shape_cast %reduce_max3A_239 : vector<160xf32> to vector<160x1xf32>
    %iota3A_241 = tpu.iota {dimensions = array<i32: 1>} : vector<160x8192xi32>
    %eq3A_242 = vector.broadcast %broadcast_in_dim3A_240 : vector<160x1xf32> to vector<160x8192xf32>
    %eq3A_243 = arith.cmpf oeq, %add3A_229, %eq3A_242 : vector<160x8192xf32>
    %jit3A_244 = arith.constant 8192 : i32
    %broadcast_in_dim3A_245 = vector.broadcast %jit3A_244 : i32 to vector<160x8192xi32>
    %select_n3A_246 = arith.select %eq3A_243, %iota3A_241, %broadcast_in_dim3A_245 : vector<160x8192xi1>, vector<160x8192xi32>
    %reduce_min3A = arith.constant dense<2147483647> : vector<160xi32>
    %reduce_min3A_247 = vector.multi_reduction <minsi>, %select_n3A_246, %reduce_min3A [1] : vector<160x8192xi32> to vector<160xi32>
    %broadcast_in_dim3A_248 = vector.shape_cast %reduce_min3A_247 : vector<160xi32> to vector<160x1xi32>
    %eq3A_249 = arith.constant 2 : i32
    %eq3A_250 = vector.broadcast %eq3A_249 : i32 to vector<160x1xi32>
    %eq3A_251 = arith.cmpi eq, %broadcast_in_dim3A_248, %eq3A_250 : vector<160x1xi32>
    %ge3A_252 = arith.constant 1 : i32
    %ge3A_253 = vector.broadcast %ge3A_252 : i32 to vector<160x1xi32>
    %ge3A_254 = arith.cmpi sge, %add3A_26, %ge3A_253 : vector<160x1xi32>
    %and3A_255 = arith.andi %eq3A_251, %ge3A_254 : vector<160x1xi1>
    %convert_element_type3A_256 = arith.extui %and3A_255 : vector<160x1xi1> to vector<160x1xi32>
    %convert_element_type3A_257 = arith.sitofp %convert_element_type3A_256 : vector<160x1xi32> to vector<160x1xf32>
    %iota3A_258 = tpu.iota {dimensions = array<i32: 0>} : vector<160x160xi32>
    %iota3A_259 = tpu.iota {dimensions = array<i32: 1>} : vector<160x160xi32>
    %jit3A_260 = arith.constant 16 : i32
    %eq3A_261 = arith.constant 0 : i32
    %eq3A_262 = arith.cmpi eq, %jit3A_260, %eq3A_261 : i32
    %jit3A_263 = arith.constant 1 : i32
    %select_n3A_264 = arith.select %eq3A_262, %jit3A_263, %jit3A_260 : i32
    %rem3A_265 = vector.broadcast %select_n3A_264 : i32 to vector<160x160xi32>
    %rem3A_266 = arith.remsi %iota3A_258, %rem3A_265 : vector<160x160xi32>
    %ne3A_267 = arith.constant 0 : i32
    %ne3A_268 = vector.broadcast %ne3A_267 : i32 to vector<160x160xi32>
    %ne3A_269 = arith.cmpi ne, %rem3A_266, %ne3A_268 : vector<160x160xi32>
    %lt3A_270 = arith.constant 0 : i32
    %lt3A_271 = vector.broadcast %lt3A_270 : i32 to vector<160x160xi32>
    %lt3A_272 = arith.cmpi slt, %rem3A_266, %lt3A_271 : vector<160x160xi32>
    %lt3A_273 = arith.constant 0 : i32
    %lt3A_274 = arith.cmpi slt, %select_n3A_264, %lt3A_273 : i32
    %ne3A_275 = vector.broadcast %lt3A_274 : i1 to vector<160x160xi1>
    %ne3A_276 = vector.broadcast %ne3A_275 : vector<160x160xi1> to vector<160x160xi1>
    %ne3A_277 = arith.xori %lt3A_272, %ne3A_276 : vector<160x160xi1>
    %and3A_278 = arith.andi %ne3A_277, %ne3A_269 : vector<160x160xi1>
    %add3A_279 = vector.broadcast %select_n3A_264 : i32 to vector<160x160xi32>
    %add3A_280 = arith.addi %rem3A_266, %add3A_279 : vector<160x160xi32>
    %select_n3A_281 = arith.select %and3A_278, %add3A_280, %rem3A_266 : vector<160x160xi1>, vector<160x160xi32>
    %jit3A_282 = arith.constant 16 : i32
    %eq3A_283 = arith.constant 0 : i32
    %eq3A_284 = arith.cmpi eq, %jit3A_282, %eq3A_283 : i32
    %jit3A_285 = arith.constant 1 : i32
    %select_n3A_286 = arith.select %eq3A_284, %jit3A_285, %jit3A_282 : i32
    %rem3A_287 = vector.broadcast %select_n3A_286 : i32 to vector<160x160xi32>
    %rem3A_288 = arith.remsi %iota3A_259, %rem3A_287 : vector<160x160xi32>
    %ne3A_289 = arith.constant 0 : i32
    %ne3A_290 = vector.broadcast %ne3A_289 : i32 to vector<160x160xi32>
    %ne3A_291 = arith.cmpi ne, %rem3A_288, %ne3A_290 : vector<160x160xi32>
    %lt3A_292 = arith.constant 0 : i32
    %lt3A_293 = vector.broadcast %lt3A_292 : i32 to vector<160x160xi32>
    %lt3A_294 = arith.cmpi slt, %rem3A_288, %lt3A_293 : vector<160x160xi32>
    %lt3A_295 = arith.constant 0 : i32
    %lt3A_296 = arith.cmpi slt, %select_n3A_286, %lt3A_295 : i32
    %ne3A_297 = vector.broadcast %lt3A_296 : i1 to vector<160x160xi1>
    %ne3A_298 = vector.broadcast %ne3A_297 : vector<160x160xi1> to vector<160x160xi1>
    %ne3A_299 = arith.xori %lt3A_294, %ne3A_298 : vector<160x160xi1>
    %and3A_300 = arith.andi %ne3A_299, %ne3A_291 : vector<160x160xi1>
    %add3A_301 = vector.broadcast %select_n3A_286 : i32 to vector<160x160xi32>
    %add3A_302 = arith.addi %rem3A_288, %add3A_301 : vector<160x160xi32>
    %select_n3A_303 = arith.select %and3A_300, %add3A_302, %rem3A_288 : vector<160x160xi1>, vector<160x160xi32>
    %eq3A_304 = arith.cmpi eq, %select_n3A_281, %select_n3A_303 : vector<160x160xi32>
    %lt3A_305 = arith.cmpi slt, %iota3A_259, %iota3A_258 : vector<160x160xi32>
    %and3A_306 = arith.andi %eq3A_304, %lt3A_305 : vector<160x160xi1>
    %convert_element_type3A_307 = arith.extui %and3A_306 : vector<160x160xi1> to vector<160x160xi32>
    %convert_element_type3A_308 = arith.sitofp %convert_element_type3A_307 : vector<160x160xi32> to vector<160x160xf32>
    %convert_element_type3A_309 = arith.truncf %convert_element_type3A_308 : vector<160x160xf32> to vector<160x160xbf16>
    %convert_element_type3A_310 = arith.truncf %convert_element_type3A_257 : vector<160x1xf32> to vector<160x1xbf16>
    %dot_general3A_311 = arith.constant dense<0.000000e+00> : vector<160x1xf32>
    %dot_general3A_312 = tpu.matmul %convert_element_type3A_309, %convert_element_type3A_310, %dot_general3A_311 {dimension_numbers = #tpu.dot_dimension_numbers<[1], [0], [0], [1], [0, 0, 1, 1], [], []>, transpose_lhs_hint = false} : vector<160x160xbf16>, vector<160x1xbf16>, vector<160x1xf32> -> vector<160x1xf32>
    %iota3A_313 = tpu.iota {dimensions = array<i32: 0>} : vector<160x16xi32>
    %iota3A_314 = tpu.iota {dimensions = array<i32: 1>} : vector<160x16xi32>
    %jit3A_315 = arith.constant 16 : i32
    %eq3A_316 = arith.constant 0 : i32
    %eq3A_317 = arith.cmpi eq, %jit3A_315, %eq3A_316 : i32
    %jit3A_318 = arith.constant 1 : i32
    %select_n3A_319 = arith.select %eq3A_317, %jit3A_318, %jit3A_315 : i32
    %rem3A_320 = vector.broadcast %select_n3A_319 : i32 to vector<160x16xi32>
    %rem3A_321 = arith.remsi %iota3A_313, %rem3A_320 : vector<160x16xi32>
    %ne3A_322 = arith.constant 0 : i32
    %ne3A_323 = vector.broadcast %ne3A_322 : i32 to vector<160x16xi32>
    %ne3A_324 = arith.cmpi ne, %rem3A_321, %ne3A_323 : vector<160x16xi32>
    %lt3A_325 = arith.constant 0 : i32
    %lt3A_326 = vector.broadcast %lt3A_325 : i32 to vector<160x16xi32>
    %lt3A_327 = arith.cmpi slt, %rem3A_321, %lt3A_326 : vector<160x16xi32>
    %lt3A_328 = arith.constant 0 : i32
    %lt3A_329 = arith.cmpi slt, %select_n3A_319, %lt3A_328 : i32
    %ne3A_330 = vector.broadcast %lt3A_329 : i1 to vector<160x16xi1>
    %ne3A_331 = vector.broadcast %ne3A_330 : vector<160x16xi1> to vector<160x16xi1>
    %ne3A_332 = arith.xori %lt3A_327, %ne3A_331 : vector<160x16xi1>
    %and3A_333 = arith.andi %ne3A_332, %ne3A_324 : vector<160x16xi1>
    %add3A_334 = vector.broadcast %select_n3A_319 : i32 to vector<160x16xi32>
    %add3A_335 = arith.addi %rem3A_321, %add3A_334 : vector<160x16xi32>
    %select_n3A_336 = arith.select %and3A_333, %add3A_335, %rem3A_321 : vector<160x16xi1>, vector<160x16xi32>
    %eq3A_337 = arith.cmpi eq, %select_n3A_336, %iota3A_314 : vector<160x16xi32>
    %convert_element_type3A_338 = arith.extui %eq3A_337 : vector<160x16xi1> to vector<160x16xi32>
    %convert_element_type3A_339 = arith.sitofp %convert_element_type3A_338 : vector<160x16xi32> to vector<160x16xf32>
    %convert_element_type3A_340 = arith.truncf %convert_element_type3A_339 : vector<160x16xf32> to vector<160x16xbf16>
    %get3A_341 = arith.constant 0 : index
    %get3A_342 = arith.constant 0 : index
    %get3A_343 = vector.load %arg8[%get3A_341, %get3A_342] : memref<16x128xf32, #tpu.memory_space<vmem>>, vector<16x1xf32>
    %convert_element_type3A_344 = arith.truncf %get3A_343 : vector<16x1xf32> to vector<16x1xbf16>
    %dot_general3A_345 = arith.constant dense<0.000000e+00> : vector<160x1xf32>
    %dot_general3A_346 = tpu.matmul %convert_element_type3A_340, %convert_element_type3A_344, %dot_general3A_345 {dimension_numbers = #tpu.dot_dimension_numbers<[1], [0], [0], [1], [0, 0, 1, 1], [], []>, transpose_lhs_hint = false} : vector<160x16xbf16>, vector<16x1xbf16>, vector<160x1xf32> -> vector<160x1xf32>
    %add3A_347 = arith.addf %dot_general3A_346, %dot_general3A_312 : vector<160x1xf32>
    %eq3A_348 = arith.constant 0.000000e+00 : f32
    %eq3A_349 = vector.broadcast %eq3A_348 : f32 to vector<160x1xf32>
    %eq3A_350 = arith.cmpf oeq, %add3A_347, %eq3A_349 : vector<160x1xf32>
    %eq3A_351 = arith.constant 2 : i32
    %eq3A_352 = vector.broadcast %eq3A_351 : i32 to vector<160x8192xi32>
    %eq3A_353 = arith.cmpi eq, %iota3A_241, %eq3A_352 : vector<160x8192xi32>
    %convert_element_type3A_354 = arith.extui %eq3A_353 : vector<160x8192xi1> to vector<160x8192xi32>
    %convert_element_type3A_355 = arith.sitofp %convert_element_type3A_354 : vector<160x8192xi32> to vector<160x8192xf32>
    %broadcast_in_dim3A_356 = vector.shape_cast %eq3A_350 : vector<160x1xi1> to vector<160x1xi1>
    %broadcast_in_dim3A_357 = vector.broadcast %broadcast_in_dim3A_356 : vector<160x1xi1> to vector<160x8192xi1>
    %select_n3A_358 = arith.select %broadcast_in_dim3A_357, %div3A_238, %convert_element_type3A_355 : vector<160x8192xi1>, vector<160x8192xf32>
    %iota3A_359 = tpu.iota {dimensions = array<i32: 0>} : vector<16x160xi32>
    %iota3A_360 = tpu.iota {dimensions = array<i32: 1>} : vector<16x160xi32>
    %jit3A_361 = arith.constant 16 : i32
    %eq3A_362 = arith.constant 0 : i32
    %eq3A_363 = arith.cmpi eq, %jit3A_361, %eq3A_362 : i32
    %jit3A_364 = arith.constant 1 : i32
    %select_n3A_365 = arith.select %eq3A_363, %jit3A_364, %jit3A_361 : i32
    %rem3A_366 = vector.broadcast %select_n3A_365 : i32 to vector<16x160xi32>
    %rem3A_367 = arith.remsi %iota3A_360, %rem3A_366 : vector<16x160xi32>
    %ne3A_368 = arith.constant 0 : i32
    %ne3A_369 = vector.broadcast %ne3A_368 : i32 to vector<16x160xi32>
    %ne3A_370 = arith.cmpi ne, %rem3A_367, %ne3A_369 : vector<16x160xi32>
    %lt3A_371 = arith.constant 0 : i32
    %lt3A_372 = vector.broadcast %lt3A_371 : i32 to vector<16x160xi32>
    %lt3A_373 = arith.cmpi slt, %rem3A_367, %lt3A_372 : vector<16x160xi32>
    %lt3A_374 = arith.constant 0 : i32
    %lt3A_375 = arith.cmpi slt, %select_n3A_365, %lt3A_374 : i32
    %ne3A_376 = vector.broadcast %lt3A_375 : i1 to vector<16x160xi1>
    %ne3A_377 = vector.broadcast %ne3A_376 : vector<16x160xi1> to vector<16x160xi1>
    %ne3A_378 = arith.xori %lt3A_373, %ne3A_377 : vector<16x160xi1>
    %and3A_379 = arith.andi %ne3A_378, %ne3A_370 : vector<16x160xi1>
    %add3A_380 = vector.broadcast %select_n3A_365 : i32 to vector<16x160xi32>
    %add3A_381 = arith.addi %rem3A_367, %add3A_380 : vector<16x160xi32>
    %select_n3A_382 = arith.select %and3A_379, %add3A_381, %rem3A_367 : vector<16x160xi1>, vector<16x160xi32>
    %eq3A_383 = arith.cmpi eq, %iota3A_359, %select_n3A_382 : vector<16x160xi32>
    %convert_element_type3A_384 = arith.extui %eq3A_383 : vector<16x160xi1> to vector<16x160xi32>
    %convert_element_type3A_385 = arith.sitofp %convert_element_type3A_384 : vector<16x160xi32> to vector<16x160xf32>
    %convert_element_type3A_386 = arith.truncf %convert_element_type3A_385 : vector<16x160xf32> to vector<16x160xbf16>
    %convert_element_type3A_387 = arith.truncf %convert_element_type3A_257 : vector<160x1xf32> to vector<160x1xbf16>
    %dot_general3A_388 = arith.constant dense<0.000000e+00> : vector<16x1xf32>
    %dot_general3A_389 = tpu.matmul %convert_element_type3A_386, %convert_element_type3A_387, %dot_general3A_388 {dimension_numbers = #tpu.dot_dimension_numbers<[1], [0], [0], [1], [0, 0, 1, 1], [], []>, transpose_lhs_hint = false} : vector<16x160xbf16>, vector<160x1xbf16>, vector<16x1xf32> -> vector<16x1xf32>
    %get3A_390 = arith.constant 0 : index
    %get3A_391 = arith.constant 0 : index
    %get3A_392 = vector.load %arg8[%get3A_390, %get3A_391] : memref<16x128xf32, #tpu.memory_space<vmem>>, vector<16x1xf32>
    %add3A_393 = arith.addf %get3A_392, %dot_general3A_389 : vector<16x1xf32>
    %swap3A = arith.constant 0 : index
    %swap3A_394 = arith.constant 0 : index
    %swap3A_395 = vector.load %arg8[%swap3A, %swap3A_394] : memref<16x128xf32, #tpu.memory_space<vmem>>, vector<16x1xf32>
    tpu.vector_store %arg8[%swap3A, %swap3A_394], %add3A_393 {strides = array<i32>} : memref<16x128xf32, #tpu.memory_space<vmem>>, vector<16x1xf32>,
    %reshape3A_396 = vector.shape_cast %select_n3A_358 : vector<160x8192xf32> to vector<10x16x8192xf32>
    %swap3A_397 = arith.constant 0 : index
    %swap3A_398 = arith.constant 0 : index
    %swap3A_399 = arith.constant 0 : index
    %swap3A_400 = vector.load %arg5[%swap3A_397, %swap3A_398, %swap3A_399] : memref<10x16x8192xf32, #tpu.memory_space<vmem>>, vector<10x16x8192xf32>
    tpu.vector_store %arg5[%swap3A_397, %swap3A_398, %swap3A_399], %reshape3A_396 {strides = array<i32>} : memref<10x16x8192xf32, #tpu.memory_space<vmem>>, vector<10x16x8192xf32>,
    %eq3A_401 = arith.constant 0 : i32
    %eq3A_402 = arith.cmpi eq, %arg0, %eq3A_401 : i32
    %convert_element_type3A_403 = arith.extui %eq3A_402 : i1 to i32
    %cond3A_404 = arith.constant 0 : i32
    %cond3A_405 = arith.cmpi ne, %convert_element_type3A_403, %cond3A_404 : i32
    scf.if %cond3A_405 {
      %slice3A = vector.extract_strided_slice %iota3A_241 {offsets = [0, 0], sizes = [1, 8192], strides = [1, 1]} : vector<160x8192xi32> to vector<1x8192xi32>
      %eq3A_406 = arith.constant 1 : i32
      %eq3A_407 = vector.broadcast %eq3A_406 : i32 to vector<1x8192xi32>
      %eq3A_408 = arith.cmpi eq, %slice3A, %eq3A_407 : vector<1x8192xi32>
      %convert_element_type3A_409 = arith.extui %eq3A_408 : vector<1x8192xi1> to vector<1x8192xi32>
      %convert_element_type3A_410 = arith.sitofp %convert_element_type3A_409 : vector<1x8192xi32> to vector<1x8192xf32>
      %broadcast_in_dim3A_411 = vector.shape_cast %convert_element_type3A_410 : vector<1x8192xf32> to vector<1x1x8192xf32>
      %broadcast_in_dim3A_412 = vector.shape_cast %broadcast_in_dim3A_411 : vector<1x1x8192xf32> to vector<1x1x8192xf32>
      %broadcast_in_dim3A_413 = vector.broadcast %broadcast_in_dim3A_412 : vector<1x1x8192xf32> to vector<1x16x8192xf32>
      %swap3A_414 = arith.constant 0 : index
      %swap3A_415 = arith.constant 0 : index
      %swap3A_416 = arith.constant 0 : index
      %swap3A_417 = vector.load %arg5[%swap3A_414, %swap3A_415, %swap3A_416] : memref<10x16x8192xf32, #tpu.memory_space<vmem>>, vector<1x16x8192xf32>
      tpu.vector_store %arg5[%swap3A_414, %swap3A_415, %swap3A_416], %broadcast_in_dim3A_413 {strides = array<i32>} : memref<10x16x8192xf32, #tpu.memory_space<vmem>>, vector<1x16x8192xf32>,
    } else {
    }
    return
  }
  func.func @transform_0(%arg0: i32) -> i32 {
    %c0_i32 = arith.constant 0 : i32
    %c0_i32_0 = arith.constant 0 : i32
    return %c0_i32 : i32
  }
  func.func @transform_1(%arg0: i32) -> (i32, i32, i32) {
    %c0_i32 = arith.constant 0 : i32
    %c0_i32_0 = arith.constant 0 : i32
    %c0_i32_1 = arith.constant 0 : i32
    return %arg0, %c0_i32, %c0_i32_0 : i32, i32, i32
  }
  func.func @transform_3(%arg0: i32) -> (i32, i32) {
    %c0_i32 = arith.constant 0 : i32
    %c0_i32_0 = arith.constant 0 : i32
    %c0_i32_1 = arith.constant 0 : i32
    return %c0_i32, %c0_i32_0 : i32, i32
  }
  func.func @transform_4(%arg0: i32) -> (i32, i32, i32) {
    %c0_i32 = arith.constant 0 : i32
    %c0_i32_0 = arith.constant 0 : i32
    %c0_i32_1 = arith.constant 0 : i32
    return %arg0, %c0_i32, %c0_i32_0 : i32, i32, i32
  }
}

</mosaic_0001>

<sc_bundles>
// kernel: kernel.4.cloned.1.call-start
scs
__scs_entry_jumppad:
0x0: {  	(pc) =	sbr.rel $0x88, $3  }
0x1: {  	(tag) =	ssettag $0x0;
	lr =	simm.s32 $0x1  }
0x2: {  	[smem:$0x3F9C] =	sst lr;
	_ =	strace $0xD0000000  }
0x3: {  	_ = 	snop  }
0x4: {  	_ = 	snop  }
0x5: {  	_ = 	snop  }
0x6: {  	_ = 	snop  }
0x7: {  	_ = 	snop  }
__scs_overlays_trampoline_lowered:
0x8: {  	[smem:$0x3FAB] =	sst s0  }
0x9: {  	[smem:$0x3FAC] =	sst s1  }
0xa: {  	[smem:$0x3FAD] =	sst s2  }
0xb: {  	[smem:$0x3FAE] =	sst s3  }
0xc: {  	[smem:$0x3FAF] =	sst s4  }
0xd: {  	[smem:$0x3FB0] =	sst s5  }
0xe: {  	[smem:$0x3FB1] =	sst s6  }
0xf: {  	[smem:$0x3FB2] =	sst s7  }
0x10: {  	[smem:$0x3FB3] =	sst s8  }
0x11: {  	[smem:$0x3FB4] =	sst s9;
	s0 =	simm.s32 @!p0 $0x0  }
0x12: {  	s1 =	sld [smem:$0x3F9A];
	s0 =	simm.s32 @p0 $0x1  }
0x13: {  	[smem:$0x3FB5] =	sst s0;
	s0 =	simm.s32 @!p1 $0x0  }
0x14: {  	s2 =	sld [smem:$0x3F99];
	s0 =	simm.s32 @p1 $0x1  }
0x15: {  	[smem:$0x3FB6] =	sst s0;
	s0 =	simm.s32 @!p2 $0x0  }
0x16: {  	s3 =	sld [smem:$0x3FDB];
	s0 =	simm.s32 @p2 $0x1  }
0x17: {  	s4 =	simm.s32 $0x1BF5;
	[smem:$0x3FB8] =	sst s0  }
0x18: {  	s0 =	sld [smem:$0x3F9B];
	_ =	swait.ge [sflag:s4], $0x0  }
0x19: {  	s7 =	sld [smem:$0x3F9C]  }
0x1a: {  	s8 =	sadd.s32 $0xFFFFE003, lr  }
0x1b: {  	s9 =	sadd.s32 $0xFFFFFEF7, lr;
	s5 =	simm.s32 $0xFFFFFFFF;
	p2 =	slt.u32 s8, $0xFFFFF086  }
0x1c: {  	p1 =	slt.u32 s9, $0xF7A;
	s5 =	simm.s32 @!p2 $0x0  }
0x1d: {  	s5 =	simm.s32 @p1 $0x1;
	p0 =	seq.s32 s7, s2  }
0x1e: {  	s7 =	smul.u32 @!p0 $0xF7A, s2;
	p2 =	seq.s32 @!p0 s5, $0x0  }
0x1f: {  	s9 =	smul.u32 $0xF7A, s1;
	s8 =	simm.s32 @!p0 $0x1BF5;
	p2 =	por !p2, p0  }
0x20: {  	[sflag:s8] =	ssyncset.s32 @!p0 $0xFFFFF086;
	s6 =	sadd.s32 @!p0 s3, s7;
	s7 =	simm.s32 @!p0 $0x108  }
0x21: {  	s3 =	sadd.s32 s3, s9;
	s6 =	sadd.s32 @!p0 $0x88, s6;
	s7 =	simm.s32 @p2 $0x1082  }
0x22: {  	[simem:s7], [sflag:s8] =	dma.local @!p0 [hbm:s6], $0xF7A  }
0x23: {  	s9 =	sor.u32 $0xD0000000, s2;
	s6 =	simm.s32 $0x108;
	_ =	swait.ge @!p0 [sflag:s8], $0x0  }
0x24: {  	s3 =	sadd.s32 $0x88, s3;
	s6 =	simm.s32 @!p1 $0x1082;
	[sflag:s4] =	ssyncset.s32 $0xFFFFF086  }
0x25: {  	[simem:s6], [sflag:s4] =	dma.local [hbm:s3], $0xF7A  }
0x26: {  	[smem:$0x3F9C] =	sst s1;
	(tag) =	ssettag s2;
	_ =	strace s9  }
0x27: {  	s1 =	sld [smem:$0x3FAC]  }
0x28: {  	s2 =	sld [smem:$0x3FAD]  }
0x29: {  	s4 =	sld [smem:$0x3FAF]  }
0x2a: {  	p0 =	seq.s32 s5, $0x0;
	s5 =	sld [smem:$0x3FB0]  }
0x2b: {  	s6 =	sld [smem:$0x3FB1]  }
0x2c: {  	s7 =	sld [smem:$0x3FB2]  }
0x2d: {  	s3 =	simm.s32 $0x108;
	s8 =	sld [smem:$0x3FB3]  }
0x2e: {  	s3 =	simm.s32 @!p0 $0x1082;
	s9 =	sld [smem:$0x3FB4]  }
0x2f: {  	lr =	sadd.s32 s0, s3;
	s0 =	sld [smem:$0x3FAB]  }
0x30: {  	s3 =	sld [smem:$0x3FAE]  }
0x31: {  	[smem:$0x3FB7] =	sst s10  }
0x32: {  	s10 =	sld [smem:$0x3FB5];
	_ =	sdelay $0x3  }
0x33: {  	p0 =	seq.s32 s10, $0x1;
	s10 =	sld [smem:$0x3FB7];
	_ =	sdelay $0x3  }
0x34: {  	[smem:$0x3FB7] =	sst s10  }
0x35: {  	s10 =	sld [smem:$0x3FB6];
	_ =	sdelay $0x3  }
0x36: {  	p1 =	seq.s32 s10, $0x1;
	s10 =	sld [smem:$0x3FB7];
	_ =	sdelay $0x3  }
0x37: {  	[smem:$0x3FB7] =	sst s10  }
0x38: {  	s10 =	sld [smem:$0x3FB8]  }
0x39: {  	_ = 	snop;
	(pc) =	sbr.ind lr, $3  }
0x3a: {  	_ = 	snop  }
0x3b: {  	_ = 	snop  }
0x3c: {  	p2 =	seq.s32 s10, $0x1;
	s10 =	sld [smem:$0x3FB7]  }
0x3d: {  	_ =	shalt  }
0x3e: {  	_ =	shalt  }
0x3f: {  	_ =	shalt  }
0x40: {  	_ =	shalt  }
0x41: {  	_ =	shalt  }
0x42: {  	_ =	shalt  }
0x43: {  	_ =	shalt  }
0x44: {  	_ =	shalt  }
0x45: {  	_ =	shalt  }
0x46: {  	_ =	shalt  }
0x47: {  	_ =	shalt  }
0x48: {  	_ =	shalt  }
0x49: {  	_ =	shalt  }
0x4a: {  	_ =	shalt  }
0x4b: {  	_ =	shalt  }
0x4c: {  	_ =	shalt  }
0x4d: {  	_ =	shalt  }
0x4e: {  	_ =	shalt  }
0x4f: {  	_ =	shalt  }
0x50: {  	_ =	shalt  }
0x51: {  	_ =	shalt  }
0x52: {  	_ =	shalt  }
0x53: {  	_ =	shalt  }
0x54: {  	_ =	shalt  }
0x55: {  	_ =	shalt  }
0x56: {  	_ =	shalt  }
0x57: {  	_ =	shalt  }
0x58: {  	_ =	shalt  }
0x59: {  	_ =	shalt  }
0x5a: {  	_ =	shalt  }
0x5b: {  	_ =	shalt  }
0x5c: {  	_ =	shalt  }
0x5d: {  	_ =	shalt  }
0x5e: {  	_ =	shalt  }
0x5f: {  	_ =	shalt  }
0x60: {  	_ =	shalt  }
0x61: {  	_ =	shalt  }
0x62: {  	_ =	shalt  }
0x63: {  	_ =	shalt  }
0x64: {  	_ =	shalt  }
0x65: {  	_ =	shalt  }
0x66: {  	_ =	shalt  }
0x67: {  	_ =	shalt  }
0x68: {  	_ =	shalt  }
0x69: {  	_ =	shalt  }
0x6a: {  	_ =	shalt  }
0x6b: {  	_ =	shalt  }
0x6c: {  	_ =	shalt  }
0x6d: {  	_ =	shalt  }
0x6e: {  	_ =	shalt  }
0x6f: {  	_ =	shalt  }
0x70: {  	_ =	shalt  }
0x71: {  	_ =	shalt  }
0x72: {  	_ =	shalt  }
0x73: {  	_ =	shalt  }
0x74: {  	_ =	shalt  }
0x75: {  	_ =	shalt  }
0x76: {  	_ =	shalt  }
0x77: {  	_ =	shalt  }
0x78: {  	_ =	shalt  }
0x79: {  	_ =	shalt  }
0x7a: {  	_ =	shalt  }
0x7b: {  	_ =	shalt  }
0x7c: {  	_ =	shalt  }
0x7d: {  	_ =	shalt  }
0x7e: {  	_ =	shalt  }
0x7f: {  	_ =	shalt  }
0x80: {  	_ =	shalt  }
0x81: {  	_ =	shalt  }
0x82: {  	_ =	shalt  }
0x83: {  	_ =	shalt  }
0x84: {  	_ =	shalt  }
0x85: {  	_ =	shalt  }
0x86: {  	_ =	shalt  }
0x87: {  	_ =	shalt  }
.Lfunc_end0:
.L_simem_size_0:
called_computation_lowered:
.L_overlay_start_0:
0x88: {  	s2 =	sld [smem:$0x3FD9]  }
0x89: {  	s3 =	sld [smem:$0x3FFE];
	_ =	sdelay $0x1  }
0x8a: {  	s1 =	srdreg.scid  }
0x8b: {  	s0 =	sand.u32 $0x1, s1  }
0x8c: {  	s17 =	sshll.u32 s0, $0xA;
	s2 =	sadd.s32 s3, s2  }
0x8d: {  	s2 =	sadd.s32 s2, s17  }
0x8e: {  	[smem:$0x3FC3] =	sst s2  }
0x8f: {  	_ = 	snop  }
0x90: {  	s2 =	sld [smem:$0x3FC7]  }
0x91: {  	s18 =	sld [smem:$0x3FD0];
	(tm) =	ssettm $0x1  }
0x92: {  	s4 =	sld [smem:$0x3FFB];
	_ =	sdelay $0x3  }
0x93: {  	_ =	strace s4  }
0x94: {  	s4 =	sld [smem:$0x3FFC];
	_ =	sdelay $0x3  }
0x95: {  	_ =	strace s4  }
0x96: {  	s4 =	sld [smem:$0x3FFD];
	_ =	sdelay $0x3  }
0x97: {  	_ =	strace s4  }
0x98: {  	_ =	strace $0x8FFFFFFF  }
0x99: {  	s19 =	sld [smem:$0x3FDB];
	_ =	sdelay $0x1  }
0x9a: {  	s5 =	simm.s32 $_scs_section_size  }
0x9b: {  	s6 =	simm.s32 $_size__tile_overlayer_lowered;
	s7 =	simm.s32 $_tile_overlayer_lowered  }
0x9c: {  	s22 =	simm.s32 $0x1BFF;
	s21 =	sshll.u32 s7, $0x1;
	s4 =	sadd.s32 s5, s19  }
0x9d: {  	s8 =	simm.s32 $0x0;
	s20 =	sshll.u32 s6, $0x1;
	s6 =	sadd.s32 s21, s4  }
0x9e: {  	[timem:s8], [sflag:s22] =	dma.local [hbm:s6], s20  }
0x9f: {  	_ =	swait.ge [sflag:s22], s20  }
0xa0: {  	s5 =	ssub.s32 $0x0, s20;
	[sflag:s22] =	ssyncset.done $0x0  }
0xa1: {  	[sflag:s22] =	ssyncadd.s32 s5;
	_ =	sdelay $0x1  }
0xa2: {  	s23 =	simm.s32 $0x1B8B  }
0xa3: {  	_ =	swait.ge [sflag:s23], $0x1  }
0xa4: {  	[sflag:s23] =	ssyncset.done $0x0  }
0xa5: {  	s25 =	simm.s32 $0x1B8E;
	s24 =	sld [smem:$0x3FFE];
	[sflag:s23] =	ssyncadd.s32 $0xFFFFFFFF  }
0xa6: {  	s26 =	simm.s32 $execute0_lowered;
	[smem:$0x3FD2] =	sst s25  }
0xa7: {  	s6 =	sshll.u32 s26, $0x1;
	_ =	strace $0x80000046;
	[dreg:$0x1] =	wrdreg $0xFFFFFFFF  }
0xa8: {  	s28 =	simm.s32 $_size_execute0_lowered;
	s4 =	sadd.s32 s4, s6;
	[dreg:$0x0] =	wrdreg $0x0  }
0xa9: {  	s6 =	sshll.u32 s28, $0x1;
	[dreg:$0x2] =	wrdreg s4  }
0xaa: {  	[dreg:$0x3] =	wrdreg s6  }
0xab: {  	[dreg:$0x4] =	wrdreg $0xC0  }
0xac: {  	_ =	task [dreg:s8], $0x5FFFF  }
0xad: {  	[dreg:$0x1] =	wrdreg $0xFFFFFFFF  }
0xae: {  	[dreg:$0x0] =	wrdreg $0x60  }
0xaf: {  	[dreg:$0x2] =	wrdreg s18  }
0xb0: {  	[dreg:$0x3] =	wrdreg s2  }
0xb1: {  	[dreg:$0x4] =	wrdreg s24  }
0xb2: {  	[dreg:$0x5] =	wrdreg $0x9  }
0xb3: {  	_ =	task.clear_ibuf [dreg:s8], $0x6FFFF;
	_ =	strace $0x90000046  }
0xb4: {  	s29 =	simm.s32 $0x9;
	_ =	strace $0x80000048  }
0xb5: {  	_ =	swait.ge [sflag:s29], $0x1  }
0xb6: {  	[sflag:s29] =	ssyncadd.s32 $0xFFFFFFFF  }
0xb7: {  	_ =	strace $0x90000048  }
0xb8: {  	_ =	sfence  }
0xb9: {  	s30 =	sld [smem:$0x0];
	_ =	sdelay $0x2  }
0xba: {  	s31 =	sshll.u32 s1, $0xD;
	s1 =	sshrl.u32 s1, $0x2  }
0xbb: {  	s3 =	sand.u32 $0x4000, s31;
	s1 =	sadd.s32 s1, s30  }
0xbc: {  	s0 =	sor.u32 s3, s0;
	s1 =	sshll.u32 s1, $0x11  }
0xbd: {  	s0 =	sor.u32 s1, s0  }
0xbe: {  	s0 =	sadd.s32 $0x8F2B, s0  }
0xbf: {  	[sflag:s0] =	ssyncadd.remote.s32 $0x1  }
0xc0: {  	_ =	sfence.sel $0xFFFF  }
0xc1: {  	[dreg:$0x0] =	wrdreg $0xFFFFFFFF;
	(pc) =	sbr.abs _section_cstart, $3  }
0xc2: {  	[dreg:$0x1] =	wrdreg $0xFFFFFFFF  }
0xc3: {  	_ =	task.clear_ibuf [dreg:s8], $0x2FFFF;
	_ =	strace $0x9FFFFFFF  }
0xc4: {  	(tm) =	ssettm $0x7FFFFFFF  }
0xc5: {  	_ =	shalt  }
tec
execute0_lowered:
.L_overlay_start_1:
0x0: {  	(tag) =	ssettag $0x1  }
0x1: {  	s1 =	rddreg [dreg:$0x0]  }
0x2: {  	s3 =	rddreg [dreg:$0x1]  }
0x3: {  	s5 =	rddreg [dreg:$0x2]  }
0x4: {  	s0 =	rddreg [dreg:$0x3]  }
0x5: {  	s6 =	srdreg.scid;
	s2 =	stileid.u32  }
0x6: {  	s4 =	simm.s32 $0x0;
	s10 =	simm.s32 $0x2;
	s11 =	simm.s32 $0x1100  }
0x7: {  	s12 =	simm.s32 $0x1900;
	s13 =	simm.s32 $0x2100;
	s14 =	simm.s32 $0x2900  }
0x8: {  	s15 =	simm.s32 $0x3100;
	s16 =	simm.s32 $0x3900;
	s17 =	simm.s32 $0x4100  }
0x9: {  	s18 =	simm.s32 $0x4900;
	s20 =	simm.s32 $0x5900;
	s21 =	simm.s32 $0x6100  }
0xa: {  	s23 =	simm.s32 $0x7100;
	s24 =	simm.s32 $0x7900;
	s25 =	simm.s32 $0x8100  }
0xb: {  	s26 =	simm.s32 $0x8900;
	s6 =	sand.u32 $0x1, s6;
	s7 =	sshll.u32 s2, $0x1  }
0xc: {  	s28 =	simm.s32 $0x1;
	[smem:$0x7FF] =	sst s4;
	s7 =	sor.u32 s6, s7  }
0xd: {  	s6 =	ssub.s32 $0x2, s6;
	_ =	strace $0x80000047;
	s8 =	sshll.u32 s7, $0xC  }
0xe: {  	s9 =	sshrl.u32 s6, $0x1;
	s19 =	sshll.u32 s7, $0x1;
	s22 =	sshllo.u32 s7, $0x1  }
0xf: {  	v1 =	vlaneseq.u32;
	vm0 =	vmmov $0xffff;
	s7 =	sadd.s32 $0x300, s3;
	s8 =	sadd.s32 s8, s5;
	s9 =	ssub.s32 s6, s9  }
0x10: {  	v4 =	vshrl.u32 v1, $0x3;
	v3 =	vand.u32 $0x7, v1;
	s5 =	sadd.s32 $0x100, s3;
	s6 =	sadd.s32 $0x200, s3;
	v0 =	vmov s19;
	s19 =	simm.s32 $0x5100  }
0x11: {  	v5 =	vor.u32 $0x8, v1;
	v4 =	vmul.u32 $0x8, v4;
	v2 =	vmov s22;
	s22 =	simm.s32 $0x6900;
	s8 =	sadd.s32 $0x800, s8;
	s9 =	smax.u32 s9, $0x1  }
.LBB2_1:
0x12: {  	[tilespmem:s4], [sflag:$0x2] =	stream.linear.gather [hbm4b:s1+s4], $0x1080, $0x38;
	[tilespmem:$0x9100] =	vst v63  }
0x13: {  	_ =	swait.ge [sflag:s10], $0x1080  }
0x14: {  	[sflag:s10] =	ssyncset.done $0x0  }
0x15: {  	[sflag:s10] =	ssyncadd.s32 $0xFFFFEF80  }
0x16: {  	v6 =	vld.idx.msk [tilespmem:v1+s4+$0x0], $0xffff;
	_ =	sdelay $0x4  }
0x17: {  	v7 =	vadd.s32 v0, v6  }
0x18: {  	vm1 =	vlt.s32 v7, $0xFFF  }
0x19: {  	v7 =	vnsel vm1, $0xFFF, v7  }
0x1a: {  	v7 =	vadd.s32 $0x20, v7;
	_ =	sdelay $0x4  }
0x1b: {  	v7 =	vld.idx.msk [tilespmem:v7+s4+$0x0], $0xffff  }
0x1c: {  	v6 =	vadd.s32 v2, v6  }
0x1d: {  	vm1 =	vlt.s32 v6, $0xFFF  }
0x1e: {  	v6 =	vnsel vm1, $0xFFF, v6  }
0x1f: {  	v6 =	vadd.s32 $0x20, v6  }
0x20: {  	v8 =	vshll.u32 v7, $0x3  }
0x21: {  	v9 =	vand.u32 $0x7, v7;
	v8 =	vand.u32 $0xFFFFFFC0, v8  }
0x22: {  	v8 =	vor.u32 v9, v8  }
0x23: {  	[tilespmem:$0x1080] =	vst v7;
	v7 =	vperm.xlane v8, v3  }
0x24: {  	v6 =	vld.idx.msk [tilespmem:v6+s4+$0x0], $0xffff  }
0x25: {  	v7 =	vadd.s32 v4, v7;
	_ =	sdelay $0x3  }
0x26: {  	[tilespmem:$0x1090] =	vst v6  }
0x27: {  	[tilespmem:s11], [sflag:$0x1] =	stream.indirect_vreg.gather [hbm4b:s3+s4], $0x80, v7, vm0, $0xb8;
	[tilespmem:$0x9100] =	vst v63  }
0x28: {  	v6 =	vperm.xlane v8, v5  }
0x29: {  	[tilespmem:s12], [sflag:$0x1] =	stream.indirect_vreg.gather [hbm4b:s5+s4], $0x80, v7, vm0, $0xb8;
	[tilespmem:$0x9100] =	vst v63  }
0x2a: {  	v6 =	vadd.s32 v4, v6  }
0x2b: {  	[tilespmem:s13], [sflag:$0x1] =	stream.indirect_vreg.gather [hbm4b:s6+s4], $0x80, v7, vm0, $0xb8;
	[tilespmem:$0x9100] =	vst v63  }
0x2c: {  	_ = 	snop  }
0x2d: {  	[tilespmem:s14], [sflag:$0x1] =	stream.indirect_vreg.gather [hbm4b:s7+s4], $0x80, v7, vm0, $0xb8;
	[tilespmem:$0x9100] =	vst v63  }
0x2e: {  	_ = 	snop  }
0x2f: {  	[tilespmem:s15], [sflag:$0x1] =	stream.indirect_vreg.gather [hbm4b:s3+s4], $0x80, v6, vm0, $0xb8;
	[tilespmem:$0x9100] =	vst v63  }
0x30: {  	_ = 	snop  }
0x31: {  	[tilespmem:s16], [sflag:$0x1] =	stream.indirect_vreg.gather [hbm4b:s5+s4], $0x80, v6, vm0, $0xb8;
	[tilespmem:$0x9100] =	vst v63  }
0x32: {  	_ = 	snop  }
0x33: {  	[tilespmem:s17], [sflag:$0x1] =	stream.indirect_vreg.gather [hbm4b:s6+s4], $0x80, v6, vm0, $0xb8;
	[tilespmem:$0x9100] =	vst v63  }
0x34: {  	_ = 	snop  }
0x35: {  	[tilespmem:s18], [sflag:$0x1] =	stream.indirect_vreg.gather [hbm4b:s7+s4], $0x80, v6, vm0, $0xb8;
	[tilespmem:$0x9100] =	vst v63  }
0x36: {  	v6 =	vld [tilespmem:$0x1090];
	_ =	sdelay $0x4  }
0x37: {  	v7 =	vshll.u32 v6, $0x3  }
0x38: {  	v6 =	vand.u32 $0x7, v6;
	v7 =	vand.u32 $0xFFFFFFC0, v7  }
0x39: {  	v6 =	vor.u32 v6, v7  }
0x3a: {  	v7 =	vperm.xlane v6, v3;
	_ =	sdelay $0x1  }
0x3b: {  	v7 =	vadd.s32 v4, v7;
	_ =	sdelay $0x4  }
0x3c: {  	[tilespmem:s19], [sflag:$0x1] =	stream.indirect_vreg.gather [hbm4b:s3+s4], $0x80, v7, vm0, $0xb8;
	[tilespmem:$0x9100] =	vst v63  }
0x3d: {  	v6 =	vperm.xlane v6, v5  }
0x3e: {  	[tilespmem:s20], [sflag:$0x1] =	stream.indirect_vreg.gather [hbm4b:s5+s4], $0x80, v7, vm0, $0xb8;
	[tilespmem:$0x9100] =	vst v63  }
0x3f: {  	v6 =	vadd.s32 v4, v6  }
0x40: {  	[tilespmem:s21], [sflag:$0x1] =	stream.indirect_vreg.gather [hbm4b:s6+s4], $0x80, v7, vm0, $0xb8;
	[tilespmem:$0x9100] =	vst v63  }
0x41: {  	_ = 	snop  }
0x42: {  	[tilespmem:s22], [sflag:$0x1] =	stream.indirect_vreg.gather [hbm4b:s7+s4], $0x80, v7, vm0, $0xb8;
	[tilespmem:$0x9100] =	vst v63  }
0x43: {  	_ = 	snop  }
0x44: {  	[tilespmem:s23], [sflag:$0x1] =	stream.indirect_vreg.gather [hbm4b:s3+s4], $0x80, v6, vm0, $0xb8;
	[tilespmem:$0x9100] =	vst v63  }
0x45: {  	_ = 	snop  }
0x46: {  	[tilespmem:s24], [sflag:$0x1] =	stream.indirect_vreg.gather [hbm4b:s5+s4], $0x80, v6, vm0, $0xb8;
	[tilespmem:$0x9100] =	vst v63  }
0x47: {  	_ = 	snop  }
0x48: {  	[tilespmem:s25], [sflag:$0x1] =	stream.indirect_vreg.gather [hbm4b:s6+s4], $0x80, v6, vm0, $0xb8;
	[tilespmem:$0x9100] =	vst v63  }
0x49: {  	_ = 	snop  }
0x4a: {  	[tilespmem:s26], [sflag:$0x1] =	stream.indirect_vreg.gather [hbm4b:s7+s4], $0x80, v6, vm0, $0xb8;
	[tilespmem:$0x9100] =	vst v63  }
0x4b: {  	_ =	swait.ge [sflag:s28], $0x8000  }
0x4c: {  	p0 =	sne.s32 s9, $0x1;
	[sflag:s28] =	ssyncset.done $0x0  }
.Ltmp0:
0x4d: {  	[sflag:s28] =	ssyncadd.s32 $0xFFFF8000;
	(pc) =	sbr.rel @p0 .LBB2_1-.Ltmp0, $4  }
0x4e: {  	[hbm4b:s8+s4] =	stream.linear.scatter [tilespmem:s11], [sflag:$0x2], $0x8000, $0x38;
	[tilespmem:$0x9100] =	vst v63  }
0x4f: {  	_ =	swait.ge [sflag:s10], $0x8000  }
0x50: {  	[sflag:s10] =	ssyncset.done $0x0  }
0x51: {  	s9 =	sadd.s32 $0xFFFFFFFF, s9;
	[sflag:s10] =	ssyncadd.s32 $0xFFFF8000  }
0x52: {  	_ =	sfence.sel $0x180000  }
0x53: {  	[bflag:$0x0] =	sbarrier.arrive $0xFFFF  }
0x54: {  	p0 =	sne.s32 s2, $0x0;
	_ =	strace $0x90000047  }
0x55: {  	s0 =	sadd.s32 @!p0 $0x100000, s0;
	[bflag:$0x2] =	sbarrier.arrive $0xFFFF  }
0x56: {  	[sflag:s0] =	ssyncadd.tile.s32 @!p0 $0x1;
	_ =	shalt  }
.Lfunc_end2:
_tile_overlayer_lowered:
.L_overlay_start_2:
0x57: {  	(tag) =	ssettag $0x2  }
0x58: {  	s0 =	rddreg [dreg:$0x0];
	s2 =	stileid.u32  }
0x59: {  	s1 =	rddreg [dreg:$0x1];
	p0 =	sne.s32 s2, $0x0  }
0x5a: {  	s3 =	rddreg [dreg:$0x2];
	[bflag:$0x3] =	sbarrier.arrive $0xFFFF;
	s2 =	simm.s32 @!p0 $0x1C02  }
0x5b: {  	[timem:s3], [sflag:s2] =	dma.local @!p0 [hbm:s0], s1  }
0x5c: {  	s0 =	simm.s32 @!p0 $0x2  }
0x5d: {  	_ =	swait.ge @!p0 [sflag:s0], s1  }
0x5e: {  	s1 =	ssub.s32 @!p0 $0x0, s1;
	[sflag:s0] =	ssyncset.done @!p0 $0x0  }
0x5f: {  	[sflag:s0] =	ssyncadd.s32 @!p0 s1  }
0x60: {  	[bflag:$0x3] =	sbarrier.arrive $0xFFFF  }
0x61: {  	_ =	shalt  }

</sc_bundles>
